<compile_context>
chip_gen: v7x
topology: tpu7x:2x2x1
jax: 0.10.2.dev20260603
libtpu: 0.0.44.dev20260713+nightly
codegen_flags: <defaults>
</compile_context>

<pallas_src>
import functools

import jax
import jax.numpy as jnp
from jax import lax
from jax.experimental import pallas as pl
from jax.experimental.pallas import tpu as pltpu
from jax.experimental.pallas import tpu_sc as plsc

B = 4096
L = 50
D = 128
LAB = 128
N_ROWS = B * L

NUM_CORES = 2
NUM_SUBCORES = 16
NW = NUM_CORES * NUM_SUBCORES
BCHUNK = B // NW
NBUF = 5


def _sc_gather_sum(emb_table, idx_lb):
    vector_mesh = plsc.VectorSubcoreMesh(
        core_axis_name="core", subcore_axis_name="subcore"
    )

    @functools.partial(
        pl.kernel,
        out_type=(
            jax.ShapeDtypeStruct((N_ROWS, D), jnp.float32),
            jax.ShapeDtypeStruct((B, D), jnp.float32),
        ),
        mesh=vector_mesh,
        scratch_types=(
            [pltpu.VMEM((L, BCHUNK), jnp.int32)]
            + [pltpu.VMEM((BCHUNK, D), jnp.float32) for _ in range(NBUF)]
            + [pltpu.VMEM((1, BCHUNK), jnp.int32)]
            + [pltpu.VMEM_SHARED((NUM_SUBCORES * BCHUNK, D), jnp.float32)]
            + [pltpu.SemaphoreType.DMA for _ in range(3 * NBUF + 1)]
        ),
    )
    def gather_kernel(table_hbm, idx_hbm, enc_hbm, sums_hbm, *scratch):
        idx_v = scratch[0]
        rows = scratch[1 : 1 + NBUF]
        accidx_v = scratch[1 + NBUF]
        shared_acc = scratch[2 + NBUF]
        gsem = scratch[3 + NBUF : 3 + 2 * NBUF]
        wsem = scratch[3 + 2 * NBUF : 3 + 3 * NBUF]
        asem = scratch[3 + 3 * NBUF : 3 + 4 * NBUF]
        isem = scratch[3 + 4 * NBUF]

        sid = lax.axis_index("subcore")
        wid = sid * NUM_CORES + lax.axis_index("core")
        b_base = wid * BCHUNK

        for c in range(BCHUNK // 16):
            accidx_v[0, pl.ds(c * 16, 16)] = (
                sid * BCHUNK + c * 16 + lax.iota(jnp.int32, 16)
            )

        idx_dma = pltpu.async_copy(idx_hbm.at[:, pl.ds(b_base, BCHUNK)], idx_v, isem)

        zero = jnp.zeros((16,), jnp.float32)

        @pl.loop(0, BCHUNK)
        def _(r):
            for c in range(D // 16):
                rows[0][r, pl.ds(c * 16, 16)] = zero

        pltpu.sync_copy(rows[0], shared_acc.at[pl.ds(sid * BCHUNK, BCHUNK)])
        idx_dma.wait()

        def start_gather(l, j):
            pltpu.make_async_copy(
                table_hbm.at[idx_v.at[l]], rows[j], gsem[j]
            ).start()

        def wait_gather(j):
            pltpu.make_async_copy(table_hbm.at[idx_v.at[0]], rows[j], gsem[j]).wait()

        def start_enc_write(l, j):
            pltpu.make_async_copy(
                rows[j], enc_hbm.at[pl.ds(l * B + b_base, BCHUNK)], wsem[j]
            ).start()

        def wait_enc_write(j):
            pltpu.make_async_copy(
                rows[j], enc_hbm.at[pl.ds(0, BCHUNK)], wsem[j]
            ).wait()

        def start_acc(j, add):
            pltpu.async_copy(
                rows[j], shared_acc.at[accidx_v.at[0]], asem[j], add=add
            )

        def wait_acc(j):
            pltpu.make_async_copy(
                rows[j], shared_acc.at[pl.ds(0, BCHUNK)], asem[j]
            ).wait()

        for j in range(NBUF):
            start_gather(j, j)

        @pl.loop(0, L, step=NBUF)
        def _(l0):
            for j in range(NBUF):
                l = l0 + j
                wait_gather(j)
                start_enc_write(l, j)
                start_acc(j, add=True)

                @pl.when(l + NBUF < L)
                def _():
                    wait_enc_write(j)
                    wait_acc(j)
                    start_gather(l + NBUF, j)

        for j in range(NBUF):
            wait_enc_write(j)
            wait_acc(j)
        pltpu.sync_copy(
            shared_acc.at[pl.ds(sid * BCHUNK, BCHUNK)],
            sums_hbm.at[pl.ds(b_base, BCHUNK)],
        )

    return gather_kernel(emb_table, idx_lb)


def _tc_head_body(sums_ref, tgt_ref, w1t_ref, b1_ref, loss_ref):
    m = sums_ref[...] * (1.0 / L)
    r = jnp.tanh(
        jnp.dot(m, w1t_ref[...], preferred_element_type=jnp.float32)
        + b1_ref[...]
    )
    d = r - tgt_ref[...]
    loss_ref[...] = jnp.sum(d * d).reshape(1, 1)


def _tc_head(sums, tgt, W1t, b1):
    loss_sum = pl.pallas_call(
        _tc_head_body,
        out_shape=jax.ShapeDtypeStruct((1, 1), jnp.float32),
    )(sums, tgt, W1t, b1)
    return loss_sum[0, 0] / (B * LAB)


def kernel(x, tgt, emb_table, W1, b1):
    idx_lb = x.T.astype(jnp.int32)
    enc_flat, sums = _sc_gather_sum(emb_table, idx_lb)
    loss = _tc_head(sums, tgt, W1.T, b1.reshape(1, LAB))
    enc_x = enc_flat.reshape(L, B, D).transpose(1, 0, 2)
    return (enc_x, loss)

# --- scband reference (transcript-rebuilt; emitter-appended) ---
"""Pipeline reference for scband-enc-79053168050463 (READ-ONLY COPY).

The authoritative reference and input builder live on the scoring server;
editing this copy changes nothing except your own understanding.
"""

import jax, jax.numpy as jnp
import numpy as np

VOCAB = 100000
EMB_DIM = 128
LAB_DIM = 128
B = 4096
L = 50


def setup_inputs(seed: int = 0) -> dict:
    key = jax.random.key(seed)
    k1, k2, k3, k4, k5 = jax.random.split(key, 5)
    x = jax.random.randint(k1, (B, L), 0, VOCAB, dtype=jnp.int64) if jax.config.jax_enable_x64 else jax.random.randint(k1, (B, L), 0, VOCAB, dtype=jnp.int32)
    tgt = jax.random.normal(k2, (B, LAB_DIM), dtype=jnp.float32)
    emb_table = jax.random.normal(k3, (VOCAB, EMB_DIM), dtype=jnp.float32) * 0.02
    bound = 1.0 / np.sqrt(EMB_DIM)
    W1 = jax.random.uniform(k4, (LAB_DIM, EMB_DIM), dtype=jnp.float32, minval=-bound, maxval=bound)
    b1 = jax.random.uniform(k5, (LAB_DIM,), dtype=jnp.float32, minval=-bound, maxval=bound)
    return {"x": x, "tgt": tgt, "emb_table": emb_table, "W1": W1, "b1": b1}


def reference(x, tgt, emb_table, W1, b1):
    # ENC.forward with mode == 'emb'
    # enc_x = self.f(x.long())  -> embedding gather
    enc_x = jnp.take(emb_table, x, axis=0)            # [B, L, EMB_DIM]
    # reduction: x.mean(1)
    red_x = jnp.mean(enc_x, axis=1)                    # [B, EMB_DIM]
    # self.b = Linear(out_dim, lab_dim) + Tanh
    red_x = jnp.tanh(red_x @ W1.T + b1)                # [B, LAB_DIM]
    # loss = MSELoss (mean reduction)
    loss = jnp.mean((red_x - tgt) ** 2)
    # original returns (enc_x, loss, hidden, mask); hidden/mask are None
    return (enc_x, loss)

if __name__ == "__main__":
    import jax
    _d = setup_inputs()
    print(jax.jit(kernel)(*tuple(_d.values())))

</pallas_src>

<mosaic_0001>
#map = affine_map<(d0, d1) -> (0, 0)>
module attributes {stable_mosaic.version = 14 : i64} {
  func.func @gather_kernel(%arg0: i32, %arg1: i32, %arg2: memref<100000x128xf32, #tpu.memory_space<hbm>>, %arg3: memref<50x4096xi32, #tpu.memory_space<hbm>>, %arg4: memref<204800x128xf32, #tpu.memory_space<hbm>>, %arg5: memref<4096x128xf32, #tpu.memory_space<hbm>>, %arg6: memref<50x128xi32, #tpu.memory_space<vmem>>, %arg7: memref<128x128xf32, #tpu.memory_space<vmem>>, %arg8: memref<128x128xf32, #tpu.memory_space<vmem>>, %arg9: memref<128x128xf32, #tpu.memory_space<vmem>>, %arg10: memref<128x128xf32, #tpu.memory_space<vmem>>, %arg11: memref<128x128xf32, #tpu.memory_space<vmem>>, %arg12: memref<1x128xi32, #tpu.memory_space<vmem>>, %arg13: memref<2048x128xf32, #tpu.memory_space<vmem_shared>>, %arg14: memref<!tpu.dma_semaphore, #tpu.memory_space<semaphore_mem>>, %arg15: memref<!tpu.dma_semaphore, #tpu.memory_space<semaphore_mem>>, %arg16: memref<!tpu.dma_semaphore, #tpu.memory_space<semaphore_mem>>, %arg17: memref<!tpu.dma_semaphore, #tpu.memory_space<semaphore_mem>>, %arg18: memref<!tpu.dma_semaphore, #tpu.memory_space<semaphore_mem>>, %arg19: memref<!tpu.dma_semaphore, #tpu.memory_space<semaphore_mem>>, %arg20: memref<!tpu.dma_semaphore, #tpu.memory_space<semaphore_mem>>, %arg21: memref<!tpu.dma_semaphore, #tpu.memory_space<semaphore_mem>>, %arg22: memref<!tpu.dma_semaphore, #tpu.memory_space<semaphore_mem>>, %arg23: memref<!tpu.dma_semaphore, #tpu.memory_space<semaphore_mem>>, %arg24: memref<!tpu.dma_semaphore, #tpu.memory_space<semaphore_mem>>, %arg25: memref<!tpu.dma_semaphore, #tpu.memory_space<semaphore_mem>>, %arg26: memref<!tpu.dma_semaphore, #tpu.memory_space<semaphore_mem>>, %arg27: memref<!tpu.dma_semaphore, #tpu.memory_space<semaphore_mem>>, %arg28: memref<!tpu.dma_semaphore, #tpu.memory_space<semaphore_mem>>, %arg29: memref<!tpu.dma_semaphore, #tpu.memory_space<semaphore_mem>>) attributes {dimension_semantics = [#tpu.dimension_semantics<core_parallel>, #tpu.dimension_semantics<subcore_parallel>], iteration_bounds = array<i64: 2, 16>, scalar_prefetch = 0 : i64, scratch_operands = 24 : i64, tpu.core_type = #tpu.core_type<sc_vector_subcore>, window_params = [{transform_indices = #map}, {transform_indices = #map}, {transform_indices = #map}, {transform_indices = #map}]} {
    %mul3A = arith.constant 2 : i32
    %mul3A_0 = arith.muli %arg1, %mul3A : i32
    %add3A = arith.addi %mul3A_0, %arg0 : i32
    %mul3A_1 = arith.constant 128 : i32
    %mul3A_2 = arith.muli %add3A, %mul3A_1 : i32
    %mul3A_3 = arith.constant 128 : i32
    %mul3A_4 = arith.muli %arg1, %mul3A_3 : i32
    %add3A_5 = arith.constant 0 : i32
    %add3A_6 = arith.addi %mul3A_4, %add3A_5 : i32
    %iota3A = tpu.iota {dimensions = array<i32: 0>} : vector<16xi32>
    %add3A_7 = vector.broadcast %add3A_6 : i32 to vector<16xi32>
    %add3A_8 = arith.addi %add3A_7, %iota3A : vector<16xi32>
    %swap3A = arith.constant 0 : i32
    %swap3A_9 = arith.index_cast %swap3A : i32 to index
    %swap3A_10 = arith.constant 0 : index
    %swap3A_11 = tpu.vector_load %arg12[%swap3A_9, %swap3A_10] {strides = array<i32>} : memref<1x128xi32, #tpu.memory_space<vmem>>, vector<1x16xi32>,
    %swap3A_12 = vector.shape_cast %swap3A_11 : vector<1x16xi32> to vector<16xi32>
    %swap3A_13 = vector.shape_cast %add3A_8 : vector<16xi32> to vector<1x16xi32>
    tpu.vector_store %arg12[%swap3A_9, %swap3A_10], %swap3A_13 {strides = array<i32>} : memref<1x128xi32, #tpu.memory_space<vmem>>, vector<1x16xi32>,
    %mul3A_14 = arith.constant 128 : i32
    %mul3A_15 = arith.muli %arg1, %mul3A_14 : i32
    %add3A_16 = arith.constant 16 : i32
    %add3A_17 = arith.addi %mul3A_15, %add3A_16 : i32
    %iota3A_18 = tpu.iota {dimensions = array<i32: 0>} : vector<16xi32>
    %add3A_19 = vector.broadcast %add3A_17 : i32 to vector<16xi32>
    %add3A_20 = arith.addi %add3A_19, %iota3A_18 : vector<16xi32>
    %swap3A_21 = arith.constant 0 : i32
    %swap3A_22 = arith.index_cast %swap3A_21 : i32 to index
    %swap3A_23 = arith.constant 16 : index
    %swap3A_24 = tpu.vector_load %arg12[%swap3A_22, %swap3A_23] {strides = array<i32>} : memref<1x128xi32, #tpu.memory_space<vmem>>, vector<1x16xi32>,
    %swap3A_25 = vector.shape_cast %swap3A_24 : vector<1x16xi32> to vector<16xi32>
    %swap3A_26 = vector.shape_cast %add3A_20 : vector<16xi32> to vector<1x16xi32>
    tpu.vector_store %arg12[%swap3A_22, %swap3A_23], %swap3A_26 {strides = array<i32>} : memref<1x128xi32, #tpu.memory_space<vmem>>, vector<1x16xi32>,
    %mul3A_27 = arith.constant 128 : i32
    %mul3A_28 = arith.muli %arg1, %mul3A_27 : i32
    %add3A_29 = arith.constant 32 : i32
    %add3A_30 = arith.addi %mul3A_28, %add3A_29 : i32
    %iota3A_31 = tpu.iota {dimensions = array<i32: 0>} : vector<16xi32>
    %add3A_32 = vector.broadcast %add3A_30 : i32 to vector<16xi32>
    %add3A_33 = arith.addi %add3A_32, %iota3A_31 : vector<16xi32>
    %swap3A_34 = arith.constant 0 : i32
    %swap3A_35 = arith.index_cast %swap3A_34 : i32 to index
    %swap3A_36 = arith.constant 32 : index
    %swap3A_37 = tpu.vector_load %arg12[%swap3A_35, %swap3A_36] {strides = array<i32>} : memref<1x128xi32, #tpu.memory_space<vmem>>, vector<1x16xi32>,
    %swap3A_38 = vector.shape_cast %swap3A_37 : vector<1x16xi32> to vector<16xi32>
    %swap3A_39 = vector.shape_cast %add3A_33 : vector<16xi32> to vector<1x16xi32>
    tpu.vector_store %arg12[%swap3A_35, %swap3A_36], %swap3A_39 {strides = array<i32>} : memref<1x128xi32, #tpu.memory_space<vmem>>, vector<1x16xi32>,
    %mul3A_40 = arith.constant 128 : i32
    %mul3A_41 = arith.muli %arg1, %mul3A_40 : i32
    %add3A_42 = arith.constant 48 : i32
    %add3A_43 = arith.addi %mul3A_41, %add3A_42 : i32
    %iota3A_44 = tpu.iota {dimensions = array<i32: 0>} : vector<16xi32>
    %add3A_45 = vector.broadcast %add3A_43 : i32 to vector<16xi32>
    %add3A_46 = arith.addi %add3A_45, %iota3A_44 : vector<16xi32>
    %swap3A_47 = arith.constant 0 : i32
    %swap3A_48 = arith.index_cast %swap3A_47 : i32 to index
    %swap3A_49 = arith.constant 48 : index
    %swap3A_50 = tpu.vector_load %arg12[%swap3A_48, %swap3A_49] {strides = array<i32>} : memref<1x128xi32, #tpu.memory_space<vmem>>, vector<1x16xi32>,
    %swap3A_51 = vector.shape_cast %swap3A_50 : vector<1x16xi32> to vector<16xi32>
    %swap3A_52 = vector.shape_cast %add3A_46 : vector<16xi32> to vector<1x16xi32>
    tpu.vector_store %arg12[%swap3A_48, %swap3A_49], %swap3A_52 {strides = array<i32>} : memref<1x128xi32, #tpu.memory_space<vmem>>, vector<1x16xi32>,
    %mul3A_53 = arith.constant 128 : i32
    %mul3A_54 = arith.muli %arg1, %mul3A_53 : i32
    %add3A_55 = arith.constant 64 : i32
    %add3A_56 = arith.addi %mul3A_54, %add3A_55 : i32
    %iota3A_57 = tpu.iota {dimensions = array<i32: 0>} : vector<16xi32>
    %add3A_58 = vector.broadcast %add3A_56 : i32 to vector<16xi32>
    %add3A_59 = arith.addi %add3A_58, %iota3A_57 : vector<16xi32>
    %swap3A_60 = arith.constant 0 : i32
    %swap3A_61 = arith.index_cast %swap3A_60 : i32 to index
    %swap3A_62 = arith.constant 64 : index
    %swap3A_63 = tpu.vector_load %arg12[%swap3A_61, %swap3A_62] {strides = array<i32>} : memref<1x128xi32, #tpu.memory_space<vmem>>, vector<1x16xi32>,
    %swap3A_64 = vector.shape_cast %swap3A_63 : vector<1x16xi32> to vector<16xi32>
    %swap3A_65 = vector.shape_cast %add3A_59 : vector<16xi32> to vector<1x16xi32>
    tpu.vector_store %arg12[%swap3A_61, %swap3A_62], %swap3A_65 {strides = array<i32>} : memref<1x128xi32, #tpu.memory_space<vmem>>, vector<1x16xi32>,
    %mul3A_66 = arith.constant 128 : i32
    %mul3A_67 = arith.muli %arg1, %mul3A_66 : i32
    %add3A_68 = arith.constant 80 : i32
    %add3A_69 = arith.addi %mul3A_67, %add3A_68 : i32
    %iota3A_70 = tpu.iota {dimensions = array<i32: 0>} : vector<16xi32>
    %add3A_71 = vector.broadcast %add3A_69 : i32 to vector<16xi32>
    %add3A_72 = arith.addi %add3A_71, %iota3A_70 : vector<16xi32>
    %swap3A_73 = arith.constant 0 : i32
    %swap3A_74 = arith.index_cast %swap3A_73 : i32 to index
    %swap3A_75 = arith.constant 80 : index
    %swap3A_76 = tpu.vector_load %arg12[%swap3A_74, %swap3A_75] {strides = array<i32>} : memref<1x128xi32, #tpu.memory_space<vmem>>, vector<1x16xi32>,
    %swap3A_77 = vector.shape_cast %swap3A_76 : vector<1x16xi32> to vector<16xi32>
    %swap3A_78 = vector.shape_cast %add3A_72 : vector<16xi32> to vector<1x16xi32>
    tpu.vector_store %arg12[%swap3A_74, %swap3A_75], %swap3A_78 {strides = array<i32>} : memref<1x128xi32, #tpu.memory_space<vmem>>, vector<1x16xi32>,
    %mul3A_79 = arith.constant 128 : i32
    %mul3A_80 = arith.muli %arg1, %mul3A_79 : i32
    %add3A_81 = arith.constant 96 : i32
    %add3A_82 = arith.addi %mul3A_80, %add3A_81 : i32
    %iota3A_83 = tpu.iota {dimensions = array<i32: 0>} : vector<16xi32>
    %add3A_84 = vector.broadcast %add3A_82 : i32 to vector<16xi32>
    %add3A_85 = arith.addi %add3A_84, %iota3A_83 : vector<16xi32>
    %swap3A_86 = arith.constant 0 : i32
    %swap3A_87 = arith.index_cast %swap3A_86 : i32 to index
    %swap3A_88 = arith.constant 96 : index
    %swap3A_89 = tpu.vector_load %arg12[%swap3A_87, %swap3A_88] {strides = array<i32>} : memref<1x128xi32, #tpu.memory_space<vmem>>, vector<1x16xi32>,
    %swap3A_90 = vector.shape_cast %swap3A_89 : vector<1x16xi32> to vector<16xi32>
    %swap3A_91 = vector.shape_cast %add3A_85 : vector<16xi32> to vector<1x16xi32>
    tpu.vector_store %arg12[%swap3A_87, %swap3A_88], %swap3A_91 {strides = array<i32>} : memref<1x128xi32, #tpu.memory_space<vmem>>, vector<1x16xi32>,
    %mul3A_92 = arith.constant 128 : i32
    %mul3A_93 = arith.muli %arg1, %mul3A_92 : i32
    %add3A_94 = arith.constant 112 : i32
    %add3A_95 = arith.addi %mul3A_93, %add3A_94 : i32
    %iota3A_96 = tpu.iota {dimensions = array<i32: 0>} : vector<16xi32>
    %add3A_97 = vector.broadcast %add3A_95 : i32 to vector<16xi32>
    %add3A_98 = arith.addi %add3A_97, %iota3A_96 : vector<16xi32>
    %swap3A_99 = arith.constant 0 : i32
    %swap3A_100 = arith.index_cast %swap3A_99 : i32 to index
    %swap3A_101 = arith.constant 112 : index
    %swap3A_102 = tpu.vector_load %arg12[%swap3A_100, %swap3A_101] {strides = array<i32>} : memref<1x128xi32, #tpu.memory_space<vmem>>, vector<1x16xi32>,
    %swap3A_103 = vector.shape_cast %swap3A_102 : vector<1x16xi32> to vector<16xi32>
    %swap3A_104 = vector.shape_cast %add3A_98 : vector<16xi32> to vector<1x16xi32>
    tpu.vector_store %arg12[%swap3A_100, %swap3A_101], %swap3A_104 {strides = array<i32>} : memref<1x128xi32, #tpu.memory_space<vmem>>, vector<1x16xi32>,
    %dma_start3A = arith.constant 0 : i32
    %dma_start3A_105 = tpu.memref_slice %arg3[%dma_start3A, %mul3A_2] : memref<50x4096xi32, #tpu.memory_space<hbm>> -> memref<50x128xi32, #tpu.memory_space<hbm>>
    %dma_start3A_106 = arith.constant 0 : i32
    %dma_start3A_107 = tpu.memref_slice %arg3[%dma_start3A_106, %mul3A_2] : memref<50x4096xi32, #tpu.memory_space<hbm>> -> memref<50x128xi32, #tpu.memory_space<hbm>>
    tpu.enqueue_dma source(%dma_start3A_107 : memref<50x128xi32, #tpu.memory_space<hbm>>) target(%arg6 : memref<50x128xi32, #tpu.memory_space<vmem>>) target_semaphore(%arg29 : memref<!tpu.dma_semaphore, #tpu.memory_space<semaphore_mem>>)
    %broadcast_in_dim3A = arith.constant 0.000000e+00 : f32
    %broadcast_in_dim3A_108 = vector.broadcast %broadcast_in_dim3A : f32 to vector<16xf32>
    %scan3A = arith.constant 0 : i32
    %scan3A_109 = arith.constant 128 : i32
    %scan3A_110 = arith.addi %scan3A, %scan3A_109 : i32
    %scan3A_111 = arith.constant 1 : i32
    scf.for %scan3A_220 = %scan3A to %scan3A_110 step %scan3A_111  : i32 {
      %mul3A_221 = arith.constant 1 : i32
      %mul3A_222 = arith.muli %scan3A_220, %mul3A_221 : i32
      %add3A_223 = arith.constant 0 : i32
      %add3A_224 = arith.addi %add3A_223, %mul3A_222 : i32
      %swap3A_225 = arith.index_cast %add3A_224 : i32 to index
      %swap3A_226 = arith.constant 0 : index
      %swap3A_227 = tpu.vector_load %arg7[%swap3A_225, %swap3A_226] {strides = array<i32>} : memref<128x128xf32, #tpu.memory_space<vmem>>, vector<1x16xf32>,
      %swap3A_228 = vector.shape_cast %swap3A_227 : vector<1x16xf32> to vector<16xf32>
      %swap3A_229 = vector.shape_cast %broadcast_in_dim3A_108 : vector<16xf32> to vector<1x16xf32>
      tpu.vector_store %arg7[%swap3A_225, %swap3A_226], %swap3A_229 {strides = array<i32>} : memref<128x128xf32, #tpu.memory_space<vmem>>, vector<1x16xf32>,
      %swap3A_230 = arith.index_cast %add3A_224 : i32 to index
      %swap3A_231 = arith.constant 16 : index
      %swap3A_232 = tpu.vector_load %arg7[%swap3A_230, %swap3A_231] {strides = array<i32>} : memref<128x128xf32, #tpu.memory_space<vmem>>, vector<1x16xf32>,
      %swap3A_233 = vector.shape_cast %swap3A_232 : vector<1x16xf32> to vector<16xf32>
      %swap3A_234 = vector.shape_cast %broadcast_in_dim3A_108 : vector<16xf32> to vector<1x16xf32>
      tpu.vector_store %arg7[%swap3A_230, %swap3A_231], %swap3A_234 {strides = array<i32>} : memref<128x128xf32, #tpu.memory_space<vmem>>, vector<1x16xf32>,
      %swap3A_235 = arith.index_cast %add3A_224 : i32 to index
      %swap3A_236 = arith.constant 32 : index
      %swap3A_237 = tpu.vector_load %arg7[%swap3A_235, %swap3A_236] {strides = array<i32>} : memref<128x128xf32, #tpu.memory_space<vmem>>, vector<1x16xf32>,
      %swap3A_238 = vector.shape_cast %swap3A_237 : vector<1x16xf32> to vector<16xf32>
      %swap3A_239 = vector.shape_cast %broadcast_in_dim3A_108 : vector<16xf32> to vector<1x16xf32>
      tpu.vector_store %arg7[%swap3A_235, %swap3A_236], %swap3A_239 {strides = array<i32>} : memref<128x128xf32, #tpu.memory_space<vmem>>, vector<1x16xf32>,
      %swap3A_240 = arith.index_cast %add3A_224 : i32 to index
      %swap3A_241 = arith.constant 48 : index
      %swap3A_242 = tpu.vector_load %arg7[%swap3A_240, %swap3A_241] {strides = array<i32>} : memref<128x128xf32, #tpu.memory_space<vmem>>, vector<1x16xf32>,
      %swap3A_243 = vector.shape_cast %swap3A_242 : vector<1x16xf32> to vector<16xf32>
      %swap3A_244 = vector.shape_cast %broadcast_in_dim3A_108 : vector<16xf32> to vector<1x16xf32>
      tpu.vector_store %arg7[%swap3A_240, %swap3A_241], %swap3A_244 {strides = array<i32>} : memref<128x128xf32, #tpu.memory_space<vmem>>, vector<1x16xf32>,
      %swap3A_245 = arith.index_cast %add3A_224 : i32 to index
      %swap3A_246 = arith.constant 64 : index
      %swap3A_247 = tpu.vector_load %arg7[%swap3A_245, %swap3A_246] {strides = array<i32>} : memref<128x128xf32, #tpu.memory_space<vmem>>, vector<1x16xf32>,
      %swap3A_248 = vector.shape_cast %swap3A_247 : vector<1x16xf32> to vector<16xf32>
      %swap3A_249 = vector.shape_cast %broadcast_in_dim3A_108 : vector<16xf32> to vector<1x16xf32>
      tpu.vector_store %arg7[%swap3A_245, %swap3A_246], %swap3A_249 {strides = array<i32>} : memref<128x128xf32, #tpu.memory_space<vmem>>, vector<1x16xf32>,
      %swap3A_250 = arith.index_cast %add3A_224 : i32 to index
      %swap3A_251 = arith.constant 80 : index
      %swap3A_252 = tpu.vector_load %arg7[%swap3A_250, %swap3A_251] {strides = array<i32>} : memref<128x128xf32, #tpu.memory_space<vmem>>, vector<1x16xf32>,
      %swap3A_253 = vector.shape_cast %swap3A_252 : vector<1x16xf32> to vector<16xf32>
      %swap3A_254 = vector.shape_cast %broadcast_in_dim3A_108 : vector<16xf32> to vector<1x16xf32>
      tpu.vector_store %arg7[%swap3A_250, %swap3A_251], %swap3A_254 {strides = array<i32>} : memref<128x128xf32, #tpu.memory_space<vmem>>, vector<1x16xf32>,
      %swap3A_255 = arith.index_cast %add3A_224 : i32 to index
      %swap3A_256 = arith.constant 96 : index
      %swap3A_257 = tpu.vector_load %arg7[%swap3A_255, %swap3A_256] {strides = array<i32>} : memref<128x128xf32, #tpu.memory_space<vmem>>, vector<1x16xf32>,
      %swap3A_258 = vector.shape_cast %swap3A_257 : vector<1x16xf32> to vector<16xf32>
      %swap3A_259 = vector.shape_cast %broadcast_in_dim3A_108 : vector<16xf32> to vector<1x16xf32>
      tpu.vector_store %arg7[%swap3A_255, %swap3A_256], %swap3A_259 {strides = array<i32>} : memref<128x128xf32, #tpu.memory_space<vmem>>, vector<1x16xf32>,
      %swap3A_260 = arith.index_cast %add3A_224 : i32 to index
      %swap3A_261 = arith.constant 112 : index
      %swap3A_262 = tpu.vector_load %arg7[%swap3A_260, %swap3A_261] {strides = array<i32>} : memref<128x128xf32, #tpu.memory_space<vmem>>, vector<1x16xf32>,
      %swap3A_263 = vector.shape_cast %swap3A_262 : vector<1x16xf32> to vector<16xf32>
      %swap3A_264 = vector.shape_cast %broadcast_in_dim3A_108 : vector<16xf32> to vector<1x16xf32>
      tpu.vector_store %arg7[%swap3A_260, %swap3A_261], %swap3A_264 {strides = array<i32>} : memref<128x128xf32, #tpu.memory_space<vmem>>, vector<1x16xf32>,
    }
    %scan3A_112 = arith.constant 128 : i32
    %mul3A_113 = arith.constant 128 : i32
    %mul3A_114 = arith.muli %arg1, %mul3A_113 : i32
    "tpu.region"() ({
      %run_scoped3A = tpu.sem_alloc : memref<!tpu.dma_semaphore, #tpu.memory_space<semaphore_mem>>
      %dma_start3A_220 = arith.constant 0 : i32
      %dma_start3A_221 = tpu.memref_slice %arg13[%mul3A_114, %dma_start3A_220] : memref<2048x128xf32, #tpu.memory_space<vmem_shared>> -> memref<128x128xf32, #tpu.memory_space<vmem_shared>>
      %dma_start3A_222 = arith.constant 0 : i32
      %dma_start3A_223 = tpu.memref_slice %arg13[%mul3A_114, %dma_start3A_222] : memref<2048x128xf32, #tpu.memory_space<vmem_shared>> -> memref<128x128xf32, #tpu.memory_space<vmem_shared>>
      tpu.enqueue_dma source(%arg7 : memref<128x128xf32, #tpu.memory_space<vmem>>) target(%dma_start3A_223 : memref<128x128xf32, #tpu.memory_space<vmem_shared>>) target_semaphore(%run_scoped3A : memref<!tpu.dma_semaphore, #tpu.memory_space<semaphore_mem>>)
      %dma_wait3A_224 = arith.constant 0 : i32
      %dma_wait3A_225 = tpu.memref_slice %arg13[%mul3A_114, %dma_wait3A_224] : memref<2048x128xf32, #tpu.memory_space<vmem_shared>> -> memref<128x128xf32, #tpu.memory_space<vmem_shared>>
      %dma_wait3A_226 = arith.constant 0 : i32
      %dma_wait3A_227 = tpu.memref_slice %arg13[%mul3A_114, %dma_wait3A_226] : memref<2048x128xf32, #tpu.memory_space<vmem_shared>> -> memref<128x128xf32, #tpu.memory_space<vmem_shared>>
      tpu.wait_dma2 semaphore(%run_scoped3A : memref<!tpu.dma_semaphore, #tpu.memory_space<semaphore_mem>>) src(%arg7 : memref<128x128xf32, #tpu.memory_space<vmem>>) dst(%dma_wait3A_227 : memref<128x128xf32, #tpu.memory_space<vmem_shared>>)
      tpu.yield
    }) : () -> ()
    %dma_wait3A = arith.constant 0 : i32
    %dma_wait3A_115 = tpu.memref_slice %arg3[%dma_wait3A, %mul3A_2] : memref<50x4096xi32, #tpu.memory_space<hbm>> -> memref<50x128xi32, #tpu.memory_space<hbm>>
    %dma_wait3A_116 = arith.constant 0 : i32
    %dma_wait3A_117 = tpu.memref_slice %arg3[%dma_wait3A_116, %mul3A_2] : memref<50x4096xi32, #tpu.memory_space<hbm>> -> memref<50x128xi32, #tpu.memory_space<hbm>>
    tpu.wait_dma2 semaphore(%arg29 : memref<!tpu.dma_semaphore, #tpu.memory_space<semaphore_mem>>) src(%dma_wait3A_117 : memref<50x128xi32, #tpu.memory_space<hbm>>) dst(%arg6 : memref<50x128xi32, #tpu.memory_space<vmem>>)
    %dma_start3A_118 = arith.constant 0 : i32
    %dma_start3A_119 = arith.constant 0 : i32
    %dma_start3A_120 = tpu.memref_slice %arg6[%dma_start3A_118, %dma_start3A_119] : memref<50x128xi32, #tpu.memory_space<vmem>> -> memref<1x128xi32, #tpu.memory_space<vmem>>
    %dma_start3A_121 = tpu.memref_squeeze %dma_start3A_120 : memref<1x128xi32, #tpu.memory_space<vmem>> -> memref<128xi32, #tpu.memory_space<vmem>>
    %dma_start3A_122 = arith.constant 0 : i32
    %dma_start3A_123 = arith.constant 0 : i32
    %dma_start3A_124 = tpu.memref_slice %arg2[%dma_start3A_122, %dma_start3A_123] : memref<100000x128xf32, #tpu.memory_space<hbm>> -> memref<100000x128xf32, #tpu.memory_space<hbm>>
    tpu.enqueue_indirect_dma source(%dma_start3A_124 : memref<100000x128xf32, #tpu.memory_space<hbm>>) target(%arg7 : memref<128x128xf32, #tpu.memory_space<vmem>>) offsets(%dma_start3A_121 : memref<128xi32, #tpu.memory_space<vmem>>) semaphore(%arg14 : memref<!tpu.dma_semaphore, #tpu.memory_space<semaphore_mem>>)
    %dma_start3A_125 = arith.constant 1 : i32
    %dma_start3A_126 = arith.constant 0 : i32
    %dma_start3A_127 = tpu.memref_slice %arg6[%dma_start3A_125, %dma_start3A_126] : memref<50x128xi32, #tpu.memory_space<vmem>> -> memref<1x128xi32, #tpu.memory_space<vmem>>
    %dma_start3A_128 = tpu.memref_squeeze %dma_start3A_127 : memref<1x128xi32, #tpu.memory_space<vmem>> -> memref<128xi32, #tpu.memory_space<vmem>>
    %dma_start3A_129 = arith.constant 0 : i32
    %dma_start3A_130 = arith.constant 0 : i32
    %dma_start3A_131 = tpu.memref_slice %arg2[%dma_start3A_129, %dma_start3A_130] : memref<100000x128xf32, #tpu.memory_space<hbm>> -> memref<100000x128xf32, #tpu.memory_space<hbm>>
    tpu.enqueue_indirect_dma source(%dma_start3A_131 : memref<100000x128xf32, #tpu.memory_space<hbm>>) target(%arg8 : memref<128x128xf32, #tpu.memory_space<vmem>>) offsets(%dma_start3A_128 : memref<128xi32, #tpu.memory_space<vmem>>) semaphore(%arg15 : memref<!tpu.dma_semaphore, #tpu.memory_space<semaphore_mem>>)
    %dma_start3A_132 = arith.constant 2 : i32
    %dma_start3A_133 = arith.constant 0 : i32
    %dma_start3A_134 = tpu.memref_slice %arg6[%dma_start3A_132, %dma_start3A_133] : memref<50x128xi32, #tpu.memory_space<vmem>> -> memref<1x128xi32, #tpu.memory_space<vmem>>
    %dma_start3A_135 = tpu.memref_squeeze %dma_start3A_134 : memref<1x128xi32, #tpu.memory_space<vmem>> -> memref<128xi32, #tpu.memory_space<vmem>>
    %dma_start3A_136 = arith.constant 0 : i32
    %dma_start3A_137 = arith.constant 0 : i32
    %dma_start3A_138 = tpu.memref_slice %arg2[%dma_start3A_136, %dma_start3A_137] : memref<100000x128xf32, #tpu.memory_space<hbm>> -> memref<100000x128xf32, #tpu.memory_space<hbm>>
    tpu.enqueue_indirect_dma source(%dma_start3A_138 : memref<100000x128xf32, #tpu.memory_space<hbm>>) target(%arg9 : memref<128x128xf32, #tpu.memory_space<vmem>>) offsets(%dma_start3A_135 : memref<128xi32, #tpu.memory_space<vmem>>) semaphore(%arg16 : memref<!tpu.dma_semaphore, #tpu.memory_space<semaphore_mem>>)
    %dma_start3A_139 = arith.constant 3 : i32
    %dma_start3A_140 = arith.constant 0 : i32
    %dma_start3A_141 = tpu.memref_slice %arg6[%dma_start3A_139, %dma_start3A_140] : memref<50x128xi32, #tpu.memory_space<vmem>> -> memref<1x128xi32, #tpu.memory_space<vmem>>
    %dma_start3A_142 = tpu.memref_squeeze %dma_start3A_141 : memref<1x128xi32, #tpu.memory_space<vmem>> -> memref<128xi32, #tpu.memory_space<vmem>>
    %dma_start3A_143 = arith.constant 0 : i32
    %dma_start3A_144 = arith.constant 0 : i32
    %dma_start3A_145 = tpu.memref_slice %arg2[%dma_start3A_143, %dma_start3A_144] : memref<100000x128xf32, #tpu.memory_space<hbm>> -> memref<100000x128xf32, #tpu.memory_space<hbm>>
    tpu.enqueue_indirect_dma source(%dma_start3A_145 : memref<100000x128xf32, #tpu.memory_space<hbm>>) target(%arg10 : memref<128x128xf32, #tpu.memory_space<vmem>>) offsets(%dma_start3A_142 : memref<128xi32, #tpu.memory_space<vmem>>) semaphore(%arg17 : memref<!tpu.dma_semaphore, #tpu.memory_space<semaphore_mem>>)
    %dma_start3A_146 = arith.constant 4 : i32
    %dma_start3A_147 = arith.constant 0 : i32
    %dma_start3A_148 = tpu.memref_slice %arg6[%dma_start3A_146, %dma_start3A_147] : memref<50x128xi32, #tpu.memory_space<vmem>> -> memref<1x128xi32, #tpu.memory_space<vmem>>
    %dma_start3A_149 = tpu.memref_squeeze %dma_start3A_148 : memref<1x128xi32, #tpu.memory_space<vmem>> -> memref<128xi32, #tpu.memory_space<vmem>>
    %dma_start3A_150 = arith.constant 0 : i32
    %dma_start3A_151 = arith.constant 0 : i32
    %dma_start3A_152 = tpu.memref_slice %arg2[%dma_start3A_150, %dma_start3A_151] : memref<100000x128xf32, #tpu.memory_space<hbm>> -> memref<100000x128xf32, #tpu.memory_space<hbm>>
    tpu.enqueue_indirect_dma source(%dma_start3A_152 : memref<100000x128xf32, #tpu.memory_space<hbm>>) target(%arg11 : memref<128x128xf32, #tpu.memory_space<vmem>>) offsets(%dma_start3A_149 : memref<128xi32, #tpu.memory_space<vmem>>) semaphore(%arg18 : memref<!tpu.dma_semaphore, #tpu.memory_space<semaphore_mem>>)
    %scan3A_153 = arith.constant 0 : i32
    %scan3A_154 = arith.constant 10 : i32
    %scan3A_155 = arith.addi %scan3A_153, %scan3A_154 : i32
    %scan3A_156 = arith.constant 1 : i32
    scf.for %scan3A_220 = %scan3A_153 to %scan3A_155 step %scan3A_156  : i32 {
      %mul3A_221 = arith.constant 5 : i32
      %mul3A_222 = arith.muli %scan3A_220, %mul3A_221 : i32
      %add3A_223 = arith.constant 0 : i32
      %add3A_224 = arith.addi %add3A_223, %mul3A_222 : i32
      %add3A_225 = arith.constant 0 : i32
      %add3A_226 = arith.addi %add3A_224, %add3A_225 : i32
      %dma_wait3A_227 = arith.constant 0 : i32
      %dma_wait3A_228 = arith.constant 0 : i32
      %dma_wait3A_229 = tpu.memref_slice %arg6[%dma_wait3A_227, %dma_wait3A_228] : memref<50x128xi32, #tpu.memory_space<vmem>> -> memref<1x128xi32, #tpu.memory_space<vmem>>
      %dma_wait3A_230 = tpu.memref_squeeze %dma_wait3A_229 : memref<1x128xi32, #tpu.memory_space<vmem>> -> memref<128xi32, #tpu.memory_space<vmem>>
      %dma_wait3A_231 = arith.constant 0 : i32
      %dma_wait3A_232 = arith.constant 0 : i32
      %dma_wait3A_233 = tpu.memref_slice %arg2[%dma_wait3A_231, %dma_wait3A_232] : memref<100000x128xf32, #tpu.memory_space<hbm>> -> memref<100000x128xf32, #tpu.memory_space<hbm>>
      tpu.wait_indirect_dma semaphore(%arg14 : memref<!tpu.dma_semaphore, #tpu.memory_space<semaphore_mem>>) src(%dma_wait3A_233 : memref<100000x128xf32, #tpu.memory_space<hbm>>) dst(%arg7 : memref<128x128xf32, #tpu.memory_space<vmem>>)
      %mul3A_234 = arith.constant 4096 : i32
      %mul3A_235 = arith.muli %add3A_226, %mul3A_234 : i32
      %add3A_236 = arith.addi %mul3A_235, %mul3A_2 : i32
      %dma_start3A_237 = arith.constant 0 : i32
      %dma_start3A_238 = tpu.memref_slice %arg4[%add3A_236, %dma_start3A_237] : memref<204800x128xf32, #tpu.memory_space<hbm>> -> memref<128x128xf32, #tpu.memory_space<hbm>>
      %dma_start3A_239 = arith.constant 0 : i32
      %dma_start3A_240 = tpu.memref_slice %arg4[%add3A_236, %dma_start3A_239] : memref<204800x128xf32, #tpu.memory_space<hbm>> -> memref<128x128xf32, #tpu.memory_space<hbm>>
      tpu.enqueue_dma source(%arg7 : memref<128x128xf32, #tpu.memory_space<vmem>>) target(%dma_start3A_240 : memref<128x128xf32, #tpu.memory_space<hbm>>) target_semaphore(%arg19 : memref<!tpu.dma_semaphore, #tpu.memory_space<semaphore_mem>>)
      %dma_start3A_241 = arith.constant 0 : i32
      %dma_start3A_242 = arith.constant 0 : i32
      %dma_start3A_243 = tpu.memref_slice %arg12[%dma_start3A_241, %dma_start3A_242] : memref<1x128xi32, #tpu.memory_space<vmem>> -> memref<1x128xi32, #tpu.memory_space<vmem>>
      %dma_start3A_244 = tpu.memref_squeeze %dma_start3A_243 : memref<1x128xi32, #tpu.memory_space<vmem>> -> memref<128xi32, #tpu.memory_space<vmem>>
      %dma_start3A_245 = arith.constant 0 : i32
      %dma_start3A_246 = arith.constant 0 : i32
      %dma_start3A_247 = tpu.memref_slice %arg13[%dma_start3A_245, %dma_start3A_246] : memref<2048x128xf32, #tpu.memory_space<vmem_shared>> -> memref<2048x128xf32, #tpu.memory_space<vmem_shared>>
      tpu.enqueue_indirect_dma source(%arg7 : memref<128x128xf32, #tpu.memory_space<vmem>>) target(%dma_start3A_247 : memref<2048x128xf32, #tpu.memory_space<vmem_shared>>) offsets(%dma_start3A_244 : memref<128xi32, #tpu.memory_space<vmem>>) semaphore(%arg24 : memref<!tpu.dma_semaphore, #tpu.memory_space<semaphore_mem>>) {add = true}
      %add3A_248 = arith.constant 5 : i32
      %add3A_249 = arith.addi %add3A_226, %add3A_248 : i32
      %lt3A = arith.constant 50 : i32
      %lt3A_250 = arith.cmpi slt, %add3A_249, %lt3A : i32
      %convert_element_type3A = arith.extui %lt3A_250 : i1 to i32
      %cond3A = arith.constant 0 : i32
      %cond3A_251 = arith.cmpi ne, %convert_element_type3A, %cond3A : i32
      scf.if %cond3A_251 {
        %dma_wait3A_372 = arith.constant 0 : i32
        %dma_wait3A_373 = arith.constant 0 : i32
        %dma_wait3A_374 = tpu.memref_slice %arg4[%dma_wait3A_372, %dma_wait3A_373] : memref<204800x128xf32, #tpu.memory_space<hbm>> -> memref<128x128xf32, #tpu.memory_space<hbm>>
        %dma_wait3A_375 = arith.constant 0 : i32
        %dma_wait3A_376 = arith.constant 0 : i32
        %dma_wait3A_377 = tpu.memref_slice %arg4[%dma_wait3A_375, %dma_wait3A_376] : memref<204800x128xf32, #tpu.memory_space<hbm>> -> memref<128x128xf32, #tpu.memory_space<hbm>>
        tpu.wait_dma2 semaphore(%arg19 : memref<!tpu.dma_semaphore, #tpu.memory_space<semaphore_mem>>) src(%arg7 : memref<128x128xf32, #tpu.memory_space<vmem>>) dst(%dma_wait3A_377 : memref<128x128xf32, #tpu.memory_space<hbm>>)
        %dma_wait3A_378 = arith.constant 0 : i32
        %dma_wait3A_379 = arith.constant 0 : i32
        %dma_wait3A_380 = tpu.memref_slice %arg13[%dma_wait3A_378, %dma_wait3A_379] : memref<2048x128xf32, #tpu.memory_space<vmem_shared>> -> memref<128x128xf32, #tpu.memory_space<vmem_shared>>
        %dma_wait3A_381 = arith.constant 0 : i32
        %dma_wait3A_382 = arith.constant 0 : i32
        %dma_wait3A_383 = tpu.memref_slice %arg13[%dma_wait3A_381, %dma_wait3A_382] : memref<2048x128xf32, #tpu.memory_space<vmem_shared>> -> memref<128x128xf32, #tpu.memory_space<vmem_shared>>
        tpu.wait_dma2 semaphore(%arg24 : memref<!tpu.dma_semaphore, #tpu.memory_space<semaphore_mem>>) src(%arg7 : memref<128x128xf32, #tpu.memory_space<vmem>>) dst(%dma_wait3A_383 : memref<128x128xf32, #tpu.memory_space<vmem_shared>>)
        %add3A_384 = arith.constant 5 : i32
        %add3A_385 = arith.addi %add3A_226, %add3A_384 : i32
        %dma_start3A_386 = arith.constant 0 : i32
        %dma_start3A_387 = tpu.memref_slice %arg6[%add3A_385, %dma_start3A_386] : memref<50x128xi32, #tpu.memory_space<vmem>> -> memref<1x128xi32, #tpu.memory_space<vmem>>
        %dma_start3A_388 = tpu.memref_squeeze %dma_start3A_387 : memref<1x128xi32, #tpu.memory_space<vmem>> -> memref<128xi32, #tpu.memory_space<vmem>>
        %dma_start3A_389 = arith.constant 0 : i32
        %dma_start3A_390 = arith.constant 0 : i32
        %dma_start3A_391 = tpu.memref_slice %arg2[%dma_start3A_389, %dma_start3A_390] : memref<100000x128xf32, #tpu.memory_space<hbm>> -> memref<100000x128xf32, #tpu.memory_space<hbm>>
        tpu.enqueue_indirect_dma source(%dma_start3A_391 : memref<100000x128xf32, #tpu.memory_space<hbm>>) target(%arg7 : memref<128x128xf32, #tpu.memory_space<vmem>>) offsets(%dma_start3A_388 : memref<128xi32, #tpu.memory_space<vmem>>) semaphore(%arg14 : memref<!tpu.dma_semaphore, #tpu.memory_space<semaphore_mem>>)
      } else {
      }
      %add3A_252 = arith.constant 1 : i32
      %add3A_253 = arith.addi %add3A_224, %add3A_252 : i32
      %dma_wait3A_254 = arith.constant 0 : i32
      %dma_wait3A_255 = arith.constant 0 : i32
      %dma_wait3A_256 = tpu.memref_slice %arg6[%dma_wait3A_254, %dma_wait3A_255] : memref<50x128xi32, #tpu.memory_space<vmem>> -> memref<1x128xi32, #tpu.memory_space<vmem>>
      %dma_wait3A_257 = tpu.memref_squeeze %dma_wait3A_256 : memref<1x128xi32, #tpu.memory_space<vmem>> -> memref<128xi32, #tpu.memory_space<vmem>>
      %dma_wait3A_258 = arith.constant 0 : i32
      %dma_wait3A_259 = arith.constant 0 : i32
      %dma_wait3A_260 = tpu.memref_slice %arg2[%dma_wait3A_258, %dma_wait3A_259] : memref<100000x128xf32, #tpu.memory_space<hbm>> -> memref<100000x128xf32, #tpu.memory_space<hbm>>
      tpu.wait_indirect_dma semaphore(%arg15 : memref<!tpu.dma_semaphore, #tpu.memory_space<semaphore_mem>>) src(%dma_wait3A_260 : memref<100000x128xf32, #tpu.memory_space<hbm>>) dst(%arg8 : memref<128x128xf32, #tpu.memory_space<vmem>>)
      %mul3A_261 = arith.constant 4096 : i32
      %mul3A_262 = arith.muli %add3A_253, %mul3A_261 : i32
      %add3A_263 = arith.addi %mul3A_262, %mul3A_2 : i32
      %dma_start3A_264 = arith.constant 0 : i32
      %dma_start3A_265 = tpu.memref_slice %arg4[%add3A_263, %dma_start3A_264] : memref<204800x128xf32, #tpu.memory_space<hbm>> -> memref<128x128xf32, #tpu.memory_space<hbm>>
      %dma_start3A_266 = arith.constant 0 : i32
      %dma_start3A_267 = tpu.memref_slice %arg4[%add3A_263, %dma_start3A_266] : memref<204800x128xf32, #tpu.memory_space<hbm>> -> memref<128x128xf32, #tpu.memory_space<hbm>>
      tpu.enqueue_dma source(%arg8 : memref<128x128xf32, #tpu.memory_space<vmem>>) target(%dma_start3A_267 : memref<128x128xf32, #tpu.memory_space<hbm>>) target_semaphore(%arg20 : memref<!tpu.dma_semaphore, #tpu.memory_space<semaphore_mem>>)
      %dma_start3A_268 = arith.constant 0 : i32
      %dma_start3A_269 = arith.constant 0 : i32
      %dma_start3A_270 = tpu.memref_slice %arg12[%dma_start3A_268, %dma_start3A_269] : memref<1x128xi32, #tpu.memory_space<vmem>> -> memref<1x128xi32, #tpu.memory_space<vmem>>
      %dma_start3A_271 = tpu.memref_squeeze %dma_start3A_270 : memref<1x128xi32, #tpu.memory_space<vmem>> -> memref<128xi32, #tpu.memory_space<vmem>>
      %dma_start3A_272 = arith.constant 0 : i32
      %dma_start3A_273 = arith.constant 0 : i32
      %dma_start3A_274 = tpu.memref_slice %arg13[%dma_start3A_272, %dma_start3A_273] : memref<2048x128xf32, #tpu.memory_space<vmem_shared>> -> memref<2048x128xf32, #tpu.memory_space<vmem_shared>>
      tpu.enqueue_indirect_dma source(%arg8 : memref<128x128xf32, #tpu.memory_space<vmem>>) target(%dma_start3A_274 : memref<2048x128xf32, #tpu.memory_space<vmem_shared>>) offsets(%dma_start3A_271 : memref<128xi32, #tpu.memory_space<vmem>>) semaphore(%arg25 : memref<!tpu.dma_semaphore, #tpu.memory_space<semaphore_mem>>) {add = true}
      %add3A_275 = arith.constant 5 : i32
      %add3A_276 = arith.addi %add3A_253, %add3A_275 : i32
      %lt3A_277 = arith.constant 50 : i32
      %lt3A_278 = arith.cmpi slt, %add3A_276, %lt3A_277 : i32
      %convert_element_type3A_279 = arith.extui %lt3A_278 : i1 to i32
      %cond3A_280 = arith.constant 0 : i32
      %cond3A_281 = arith.cmpi ne, %convert_element_type3A_279, %cond3A_280 : i32
      scf.if %cond3A_281 {
        %dma_wait3A_372 = arith.constant 0 : i32
        %dma_wait3A_373 = arith.constant 0 : i32
        %dma_wait3A_374 = tpu.memref_slice %arg4[%dma_wait3A_372, %dma_wait3A_373] : memref<204800x128xf32, #tpu.memory_space<hbm>> -> memref<128x128xf32, #tpu.memory_space<hbm>>
        %dma_wait3A_375 = arith.constant 0 : i32
        %dma_wait3A_376 = arith.constant 0 : i32
        %dma_wait3A_377 = tpu.memref_slice %arg4[%dma_wait3A_375, %dma_wait3A_376] : memref<204800x128xf32, #tpu.memory_space<hbm>> -> memref<128x128xf32, #tpu.memory_space<hbm>>
        tpu.wait_dma2 semaphore(%arg20 : memref<!tpu.dma_semaphore, #tpu.memory_space<semaphore_mem>>) src(%arg8 : memref<128x128xf32, #tpu.memory_space<vmem>>) dst(%dma_wait3A_377 : memref<128x128xf32, #tpu.memory_space<hbm>>)
        %dma_wait3A_378 = arith.constant 0 : i32
        %dma_wait3A_379 = arith.constant 0 : i32
        %dma_wait3A_380 = tpu.memref_slice %arg13[%dma_wait3A_378, %dma_wait3A_379] : memref<2048x128xf32, #tpu.memory_space<vmem_shared>> -> memref<128x128xf32, #tpu.memory_space<vmem_shared>>
        %dma_wait3A_381 = arith.constant 0 : i32
        %dma_wait3A_382 = arith.constant 0 : i32
        %dma_wait3A_383 = tpu.memref_slice %arg13[%dma_wait3A_381, %dma_wait3A_382] : memref<2048x128xf32, #tpu.memory_space<vmem_shared>> -> memref<128x128xf32, #tpu.memory_space<vmem_shared>>
        tpu.wait_dma2 semaphore(%arg25 : memref<!tpu.dma_semaphore, #tpu.memory_space<semaphore_mem>>) src(%arg8 : memref<128x128xf32, #tpu.memory_space<vmem>>) dst(%dma_wait3A_383 : memref<128x128xf32, #tpu.memory_space<vmem_shared>>)
        %add3A_384 = arith.constant 5 : i32
        %add3A_385 = arith.addi %add3A_253, %add3A_384 : i32
        %dma_start3A_386 = arith.constant 0 : i32
        %dma_start3A_387 = tpu.memref_slice %arg6[%add3A_385, %dma_start3A_386] : memref<50x128xi32, #tpu.memory_space<vmem>> -> memref<1x128xi32, #tpu.memory_space<vmem>>
        %dma_start3A_388 = tpu.memref_squeeze %dma_start3A_387 : memref<1x128xi32, #tpu.memory_space<vmem>> -> memref<128xi32, #tpu.memory_space<vmem>>
        %dma_start3A_389 = arith.constant 0 : i32
        %dma_start3A_390 = arith.constant 0 : i32
        %dma_start3A_391 = tpu.memref_slice %arg2[%dma_start3A_389, %dma_start3A_390] : memref<100000x128xf32, #tpu.memory_space<hbm>> -> memref<100000x128xf32, #tpu.memory_space<hbm>>
        tpu.enqueue_indirect_dma source(%dma_start3A_391 : memref<100000x128xf32, #tpu.memory_space<hbm>>) target(%arg8 : memref<128x128xf32, #tpu.memory_space<vmem>>) offsets(%dma_start3A_388 : memref<128xi32, #tpu.memory_space<vmem>>) semaphore(%arg15 : memref<!tpu.dma_semaphore, #tpu.memory_space<semaphore_mem>>)
      } else {
      }
      %add3A_282 = arith.constant 2 : i32
      %add3A_283 = arith.addi %add3A_224, %add3A_282 : i32
      %dma_wait3A_284 = arith.constant 0 : i32
      %dma_wait3A_285 = arith.constant 0 : i32
      %dma_wait3A_286 = tpu.memref_slice %arg6[%dma_wait3A_284, %dma_wait3A_285] : memref<50x128xi32, #tpu.memory_space<vmem>> -> memref<1x128xi32, #tpu.memory_space<vmem>>
      %dma_wait3A_287 = tpu.memref_squeeze %dma_wait3A_286 : memref<1x128xi32, #tpu.memory_space<vmem>> -> memref<128xi32, #tpu.memory_space<vmem>>
      %dma_wait3A_288 = arith.constant 0 : i32
      %dma_wait3A_289 = arith.constant 0 : i32
      %dma_wait3A_290 = tpu.memref_slice %arg2[%dma_wait3A_288, %dma_wait3A_289] : memref<100000x128xf32, #tpu.memory_space<hbm>> -> memref<100000x128xf32, #tpu.memory_space<hbm>>
      tpu.wait_indirect_dma semaphore(%arg16 : memref<!tpu.dma_semaphore, #tpu.memory_space<semaphore_mem>>) src(%dma_wait3A_290 : memref<100000x128xf32, #tpu.memory_space<hbm>>) dst(%arg9 : memref<128x128xf32, #tpu.memory_space<vmem>>)
      %mul3A_291 = arith.constant 4096 : i32
      %mul3A_292 = arith.muli %add3A_283, %mul3A_291 : i32
      %add3A_293 = arith.addi %mul3A_292, %mul3A_2 : i32
      %dma_start3A_294 = arith.constant 0 : i32
      %dma_start3A_295 = tpu.memref_slice %arg4[%add3A_293, %dma_start3A_294] : memref<204800x128xf32, #tpu.memory_space<hbm>> -> memref<128x128xf32, #tpu.memory_space<hbm>>
      %dma_start3A_296 = arith.constant 0 : i32
      %dma_start3A_297 = tpu.memref_slice %arg4[%add3A_293, %dma_start3A_296] : memref<204800x128xf32, #tpu.memory_space<hbm>> -> memref<128x128xf32, #tpu.memory_space<hbm>>
      tpu.enqueue_dma source(%arg9 : memref<128x128xf32, #tpu.memory_space<vmem>>) target(%dma_start3A_297 : memref<128x128xf32, #tpu.memory_space<hbm>>) target_semaphore(%arg21 : memref<!tpu.dma_semaphore, #tpu.memory_space<semaphore_mem>>)
      %dma_start3A_298 = arith.constant 0 : i32
      %dma_start3A_299 = arith.constant 0 : i32
      %dma_start3A_300 = tpu.memref_slice %arg12[%dma_start3A_298, %dma_start3A_299] : memref<1x128xi32, #tpu.memory_space<vmem>> -> memref<1x128xi32, #tpu.memory_space<vmem>>
      %dma_start3A_301 = tpu.memref_squeeze %dma_start3A_300 : memref<1x128xi32, #tpu.memory_space<vmem>> -> memref<128xi32, #tpu.memory_space<vmem>>
      %dma_start3A_302 = arith.constant 0 : i32
      %dma_start3A_303 = arith.constant 0 : i32
      %dma_start3A_304 = tpu.memref_slice %arg13[%dma_start3A_302, %dma_start3A_303] : memref<2048x128xf32, #tpu.memory_space<vmem_shared>> -> memref<2048x128xf32, #tpu.memory_space<vmem_shared>>
      tpu.enqueue_indirect_dma source(%arg9 : memref<128x128xf32, #tpu.memory_space<vmem>>) target(%dma_start3A_304 : memref<2048x128xf32, #tpu.memory_space<vmem_shared>>) offsets(%dma_start3A_301 : memref<128xi32, #tpu.memory_space<vmem>>) semaphore(%arg26 : memref<!tpu.dma_semaphore, #tpu.memory_space<semaphore_mem>>) {add = true}
      %add3A_305 = arith.constant 5 : i32
      %add3A_306 = arith.addi %add3A_283, %add3A_305 : i32
      %lt3A_307 = arith.constant 50 : i32
      %lt3A_308 = arith.cmpi slt, %add3A_306, %lt3A_307 : i32
      %convert_element_type3A_309 = arith.extui %lt3A_308 : i1 to i32
      %cond3A_310 = arith.constant 0 : i32
      %cond3A_311 = arith.cmpi ne, %convert_element_type3A_309, %cond3A_310 : i32
      scf.if %cond3A_311 {
        %dma_wait3A_372 = arith.constant 0 : i32
        %dma_wait3A_373 = arith.constant 0 : i32
        %dma_wait3A_374 = tpu.memref_slice %arg4[%dma_wait3A_372, %dma_wait3A_373] : memref<204800x128xf32, #tpu.memory_space<hbm>> -> memref<128x128xf32, #tpu.memory_space<hbm>>
        %dma_wait3A_375 = arith.constant 0 : i32
        %dma_wait3A_376 = arith.constant 0 : i32
        %dma_wait3A_377 = tpu.memref_slice %arg4[%dma_wait3A_375, %dma_wait3A_376] : memref<204800x128xf32, #tpu.memory_space<hbm>> -> memref<128x128xf32, #tpu.memory_space<hbm>>
        tpu.wait_dma2 semaphore(%arg21 : memref<!tpu.dma_semaphore, #tpu.memory_space<semaphore_mem>>) src(%arg9 : memref<128x128xf32, #tpu.memory_space<vmem>>) dst(%dma_wait3A_377 : memref<128x128xf32, #tpu.memory_space<hbm>>)
        %dma_wait3A_378 = arith.constant 0 : i32
        %dma_wait3A_379 = arith.constant 0 : i32
        %dma_wait3A_380 = tpu.memref_slice %arg13[%dma_wait3A_378, %dma_wait3A_379] : memref<2048x128xf32, #tpu.memory_space<vmem_shared>> -> memref<128x128xf32, #tpu.memory_space<vmem_shared>>
        %dma_wait3A_381 = arith.constant 0 : i32
        %dma_wait3A_382 = arith.constant 0 : i32
        %dma_wait3A_383 = tpu.memref_slice %arg13[%dma_wait3A_381, %dma_wait3A_382] : memref<2048x128xf32, #tpu.memory_space<vmem_shared>> -> memref<128x128xf32, #tpu.memory_space<vmem_shared>>
        tpu.wait_dma2 semaphore(%arg26 : memref<!tpu.dma_semaphore, #tpu.memory_space<semaphore_mem>>) src(%arg9 : memref<128x128xf32, #tpu.memory_space<vmem>>) dst(%dma_wait3A_383 : memref<128x128xf32, #tpu.memory_space<vmem_shared>>)
        %add3A_384 = arith.constant 5 : i32
        %add3A_385 = arith.addi %add3A_283, %add3A_384 : i32
        %dma_start3A_386 = arith.constant 0 : i32
        %dma_start3A_387 = tpu.memref_slice %arg6[%add3A_385, %dma_start3A_386] : memref<50x128xi32, #tpu.memory_space<vmem>> -> memref<1x128xi32, #tpu.memory_space<vmem>>
        %dma_start3A_388 = tpu.memref_squeeze %dma_start3A_387 : memref<1x128xi32, #tpu.memory_space<vmem>> -> memref<128xi32, #tpu.memory_space<vmem>>
        %dma_start3A_389 = arith.constant 0 : i32
        %dma_start3A_390 = arith.constant 0 : i32
        %dma_start3A_391 = tpu.memref_slice %arg2[%dma_start3A_389, %dma_start3A_390] : memref<100000x128xf32, #tpu.memory_space<hbm>> -> memref<100000x128xf32, #tpu.memory_space<hbm>>
        tpu.enqueue_indirect_dma source(%dma_start3A_391 : memref<100000x128xf32, #tpu.memory_space<hbm>>) target(%arg9 : memref<128x128xf32, #tpu.memory_space<vmem>>) offsets(%dma_start3A_388 : memref<128xi32, #tpu.memory_space<vmem>>) semaphore(%arg16 : memref<!tpu.dma_semaphore, #tpu.memory_space<semaphore_mem>>)
      } else {
      }
      %add3A_312 = arith.constant 3 : i32
      %add3A_313 = arith.addi %add3A_224, %add3A_312 : i32
      %dma_wait3A_314 = arith.constant 0 : i32
      %dma_wait3A_315 = arith.constant 0 : i32
      %dma_wait3A_316 = tpu.memref_slice %arg6[%dma_wait3A_314, %dma_wait3A_315] : memref<50x128xi32, #tpu.memory_space<vmem>> -> memref<1x128xi32, #tpu.memory_space<vmem>>
      %dma_wait3A_317 = tpu.memref_squeeze %dma_wait3A_316 : memref<1x128xi32, #tpu.memory_space<vmem>> -> memref<128xi32, #tpu.memory_space<vmem>>
      %dma_wait3A_318 = arith.constant 0 : i32
      %dma_wait3A_319 = arith.constant 0 : i32
      %dma_wait3A_320 = tpu.memref_slice %arg2[%dma_wait3A_318, %dma_wait3A_319] : memref<100000x128xf32, #tpu.memory_space<hbm>> -> memref<100000x128xf32, #tpu.memory_space<hbm>>
      tpu.wait_indirect_dma semaphore(%arg17 : memref<!tpu.dma_semaphore, #tpu.memory_space<semaphore_mem>>) src(%dma_wait3A_320 : memref<100000x128xf32, #tpu.memory_space<hbm>>) dst(%arg10 : memref<128x128xf32, #tpu.memory_space<vmem>>)
      %mul3A_321 = arith.constant 4096 : i32
      %mul3A_322 = arith.muli %add3A_313, %mul3A_321 : i32
      %add3A_323 = arith.addi %mul3A_322, %mul3A_2 : i32
      %dma_start3A_324 = arith.constant 0 : i32
      %dma_start3A_325 = tpu.memref_slice %arg4[%add3A_323, %dma_start3A_324] : memref<204800x128xf32, #tpu.memory_space<hbm>> -> memref<128x128xf32, #tpu.memory_space<hbm>>
      %dma_start3A_326 = arith.constant 0 : i32
      %dma_start3A_327 = tpu.memref_slice %arg4[%add3A_323, %dma_start3A_326] : memref<204800x128xf32, #tpu.memory_space<hbm>> -> memref<128x128xf32, #tpu.memory_space<hbm>>
      tpu.enqueue_dma source(%arg10 : memref<128x128xf32, #tpu.memory_space<vmem>>) target(%dma_start3A_327 : memref<128x128xf32, #tpu.memory_space<hbm>>) target_semaphore(%arg22 : memref<!tpu.dma_semaphore, #tpu.memory_space<semaphore_mem>>)
      %dma_start3A_328 = arith.constant 0 : i32
      %dma_start3A_329 = arith.constant 0 : i32
      %dma_start3A_330 = tpu.memref_slice %arg12[%dma_start3A_328, %dma_start3A_329] : memref<1x128xi32, #tpu.memory_space<vmem>> -> memref<1x128xi32, #tpu.memory_space<vmem>>
      %dma_start3A_331 = tpu.memref_squeeze %dma_start3A_330 : memref<1x128xi32, #tpu.memory_space<vmem>> -> memref<128xi32, #tpu.memory_space<vmem>>
      %dma_start3A_332 = arith.constant 0 : i32
      %dma_start3A_333 = arith.constant 0 : i32
      %dma_start3A_334 = tpu.memref_slice %arg13[%dma_start3A_332, %dma_start3A_333] : memref<2048x128xf32, #tpu.memory_space<vmem_shared>> -> memref<2048x128xf32, #tpu.memory_space<vmem_shared>>
      tpu.enqueue_indirect_dma source(%arg10 : memref<128x128xf32, #tpu.memory_space<vmem>>) target(%dma_start3A_334 : memref<2048x128xf32, #tpu.memory_space<vmem_shared>>) offsets(%dma_start3A_331 : memref<128xi32, #tpu.memory_space<vmem>>) semaphore(%arg27 : memref<!tpu.dma_semaphore, #tpu.memory_space<semaphore_mem>>) {add = true}
      %add3A_335 = arith.constant 5 : i32
      %add3A_336 = arith.addi %add3A_313, %add3A_335 : i32
      %lt3A_337 = arith.constant 50 : i32
      %lt3A_338 = arith.cmpi slt, %add3A_336, %lt3A_337 : i32
      %convert_element_type3A_339 = arith.extui %lt3A_338 : i1 to i32
      %cond3A_340 = arith.constant 0 : i32
      %cond3A_341 = arith.cmpi ne, %convert_element_type3A_339, %cond3A_340 : i32
      scf.if %cond3A_341 {
        %dma_wait3A_372 = arith.constant 0 : i32
        %dma_wait3A_373 = arith.constant 0 : i32
        %dma_wait3A_374 = tpu.memref_slice %arg4[%dma_wait3A_372, %dma_wait3A_373] : memref<204800x128xf32, #tpu.memory_space<hbm>> -> memref<128x128xf32, #tpu.memory_space<hbm>>
        %dma_wait3A_375 = arith.constant 0 : i32
        %dma_wait3A_376 = arith.constant 0 : i32
        %dma_wait3A_377 = tpu.memref_slice %arg4[%dma_wait3A_375, %dma_wait3A_376] : memref<204800x128xf32, #tpu.memory_space<hbm>> -> memref<128x128xf32, #tpu.memory_space<hbm>>
        tpu.wait_dma2 semaphore(%arg22 : memref<!tpu.dma_semaphore, #tpu.memory_space<semaphore_mem>>) src(%arg10 : memref<128x128xf32, #tpu.memory_space<vmem>>) dst(%dma_wait3A_377 : memref<128x128xf32, #tpu.memory_space<hbm>>)
        %dma_wait3A_378 = arith.constant 0 : i32
        %dma_wait3A_379 = arith.constant 0 : i32
        %dma_wait3A_380 = tpu.memref_slice %arg13[%dma_wait3A_378, %dma_wait3A_379] : memref<2048x128xf32, #tpu.memory_space<vmem_shared>> -> memref<128x128xf32, #tpu.memory_space<vmem_shared>>
        %dma_wait3A_381 = arith.constant 0 : i32
        %dma_wait3A_382 = arith.constant 0 : i32
        %dma_wait3A_383 = tpu.memref_slice %arg13[%dma_wait3A_381, %dma_wait3A_382] : memref<2048x128xf32, #tpu.memory_space<vmem_shared>> -> memref<128x128xf32, #tpu.memory_space<vmem_shared>>
        tpu.wait_dma2 semaphore(%arg27 : memref<!tpu.dma_semaphore, #tpu.memory_space<semaphore_mem>>) src(%arg10 : memref<128x128xf32, #tpu.memory_space<vmem>>) dst(%dma_wait3A_383 : memref<128x128xf32, #tpu.memory_space<vmem_shared>>)
        %add3A_384 = arith.constant 5 : i32
        %add3A_385 = arith.addi %add3A_313, %add3A_384 : i32
        %dma_start3A_386 = arith.constant 0 : i32
        %dma_start3A_387 = tpu.memref_slice %arg6[%add3A_385, %dma_start3A_386] : memref<50x128xi32, #tpu.memory_space<vmem>> -> memref<1x128xi32, #tpu.memory_space<vmem>>
        %dma_start3A_388 = tpu.memref_squeeze %dma_start3A_387 : memref<1x128xi32, #tpu.memory_space<vmem>> -> memref<128xi32, #tpu.memory_space<vmem>>
        %dma_start3A_389 = arith.constant 0 : i32
        %dma_start3A_390 = arith.constant 0 : i32
        %dma_start3A_391 = tpu.memref_slice %arg2[%dma_start3A_389, %dma_start3A_390] : memref<100000x128xf32, #tpu.memory_space<hbm>> -> memref<100000x128xf32, #tpu.memory_space<hbm>>
        tpu.enqueue_indirect_dma source(%dma_start3A_391 : memref<100000x128xf32, #tpu.memory_space<hbm>>) target(%arg10 : memref<128x128xf32, #tpu.memory_space<vmem>>) offsets(%dma_start3A_388 : memref<128xi32, #tpu.memory_space<vmem>>) semaphore(%arg17 : memref<!tpu.dma_semaphore, #tpu.memory_space<semaphore_mem>>)
      } else {
      }
      %add3A_342 = arith.constant 4 : i32
      %add3A_343 = arith.addi %add3A_224, %add3A_342 : i32
      %dma_wait3A_344 = arith.constant 0 : i32
      %dma_wait3A_345 = arith.constant 0 : i32
      %dma_wait3A_346 = tpu.memref_slice %arg6[%dma_wait3A_344, %dma_wait3A_345] : memref<50x128xi32, #tpu.memory_space<vmem>> -> memref<1x128xi32, #tpu.memory_space<vmem>>
      %dma_wait3A_347 = tpu.memref_squeeze %dma_wait3A_346 : memref<1x128xi32, #tpu.memory_space<vmem>> -> memref<128xi32, #tpu.memory_space<vmem>>
      %dma_wait3A_348 = arith.constant 0 : i32
      %dma_wait3A_349 = arith.constant 0 : i32
      %dma_wait3A_350 = tpu.memref_slice %arg2[%dma_wait3A_348, %dma_wait3A_349] : memref<100000x128xf32, #tpu.memory_space<hbm>> -> memref<100000x128xf32, #tpu.memory_space<hbm>>
      tpu.wait_indirect_dma semaphore(%arg18 : memref<!tpu.dma_semaphore, #tpu.memory_space<semaphore_mem>>) src(%dma_wait3A_350 : memref<100000x128xf32, #tpu.memory_space<hbm>>) dst(%arg11 : memref<128x128xf32, #tpu.memory_space<vmem>>)
      %mul3A_351 = arith.constant 4096 : i32
      %mul3A_352 = arith.muli %add3A_343, %mul3A_351 : i32
      %add3A_353 = arith.addi %mul3A_352, %mul3A_2 : i32
      %dma_start3A_354 = arith.constant 0 : i32
      %dma_start3A_355 = tpu.memref_slice %arg4[%add3A_353, %dma_start3A_354] : memref<204800x128xf32, #tpu.memory_space<hbm>> -> memref<128x128xf32, #tpu.memory_space<hbm>>
      %dma_start3A_356 = arith.constant 0 : i32
      %dma_start3A_357 = tpu.memref_slice %arg4[%add3A_353, %dma_start3A_356] : memref<204800x128xf32, #tpu.memory_space<hbm>> -> memref<128x128xf32, #tpu.memory_space<hbm>>
      tpu.enqueue_dma source(%arg11 : memref<128x128xf32, #tpu.memory_space<vmem>>) target(%dma_start3A_357 : memref<128x128xf32, #tpu.memory_space<hbm>>) target_semaphore(%arg23 : memref<!tpu.dma_semaphore, #tpu.memory_space<semaphore_mem>>)
      %dma_start3A_358 = arith.constant 0 : i32
      %dma_start3A_359 = arith.constant 0 : i32
      %dma_start3A_360 = tpu.memref_slice %arg12[%dma_start3A_358, %dma_start3A_359] : memref<1x128xi32, #tpu.memory_space<vmem>> -> memref<1x128xi32, #tpu.memory_space<vmem>>
      %dma_start3A_361 = tpu.memref_squeeze %dma_start3A_360 : memref<1x128xi32, #tpu.memory_space<vmem>> -> memref<128xi32, #tpu.memory_space<vmem>>
      %dma_start3A_362 = arith.constant 0 : i32
      %dma_start3A_363 = arith.constant 0 : i32
      %dma_start3A_364 = tpu.memref_slice %arg13[%dma_start3A_362, %dma_start3A_363] : memref<2048x128xf32, #tpu.memory_space<vmem_shared>> -> memref<2048x128xf32, #tpu.memory_space<vmem_shared>>
      tpu.enqueue_indirect_dma source(%arg11 : memref<128x128xf32, #tpu.memory_space<vmem>>) target(%dma_start3A_364 : memref<2048x128xf32, #tpu.memory_space<vmem_shared>>) offsets(%dma_start3A_361 : memref<128xi32, #tpu.memory_space<vmem>>) semaphore(%arg28 : memref<!tpu.dma_semaphore, #tpu.memory_space<semaphore_mem>>) {add = true}
      %add3A_365 = arith.constant 5 : i32
      %add3A_366 = arith.addi %add3A_343, %add3A_365 : i32
      %lt3A_367 = arith.constant 50 : i32
      %lt3A_368 = arith.cmpi slt, %add3A_366, %lt3A_367 : i32
      %convert_element_type3A_369 = arith.extui %lt3A_368 : i1 to i32
      %cond3A_370 = arith.constant 0 : i32
      %cond3A_371 = arith.cmpi ne, %convert_element_type3A_369, %cond3A_370 : i32
      scf.if %cond3A_371 {
        %dma_wait3A_372 = arith.constant 0 : i32
        %dma_wait3A_373 = arith.constant 0 : i32
        %dma_wait3A_374 = tpu.memref_slice %arg4[%dma_wait3A_372, %dma_wait3A_373] : memref<204800x128xf32, #tpu.memory_space<hbm>> -> memref<128x128xf32, #tpu.memory_space<hbm>>
        %dma_wait3A_375 = arith.constant 0 : i32
        %dma_wait3A_376 = arith.constant 0 : i32
        %dma_wait3A_377 = tpu.memref_slice %arg4[%dma_wait3A_375, %dma_wait3A_376] : memref<204800x128xf32, #tpu.memory_space<hbm>> -> memref<128x128xf32, #tpu.memory_space<hbm>>
        tpu.wait_dma2 semaphore(%arg23 : memref<!tpu.dma_semaphore, #tpu.memory_space<semaphore_mem>>) src(%arg11 : memref<128x128xf32, #tpu.memory_space<vmem>>) dst(%dma_wait3A_377 : memref<128x128xf32, #tpu.memory_space<hbm>>)
        %dma_wait3A_378 = arith.constant 0 : i32
        %dma_wait3A_379 = arith.constant 0 : i32
        %dma_wait3A_380 = tpu.memref_slice %arg13[%dma_wait3A_378, %dma_wait3A_379] : memref<2048x128xf32, #tpu.memory_space<vmem_shared>> -> memref<128x128xf32, #tpu.memory_space<vmem_shared>>
        %dma_wait3A_381 = arith.constant 0 : i32
        %dma_wait3A_382 = arith.constant 0 : i32
        %dma_wait3A_383 = tpu.memref_slice %arg13[%dma_wait3A_381, %dma_wait3A_382] : memref<2048x128xf32, #tpu.memory_space<vmem_shared>> -> memref<128x128xf32, #tpu.memory_space<vmem_shared>>
        tpu.wait_dma2 semaphore(%arg28 : memref<!tpu.dma_semaphore, #tpu.memory_space<semaphore_mem>>) src(%arg11 : memref<128x128xf32, #tpu.memory_space<vmem>>) dst(%dma_wait3A_383 : memref<128x128xf32, #tpu.memory_space<vmem_shared>>)
        %add3A_384 = arith.constant 5 : i32
        %add3A_385 = arith.addi %add3A_343, %add3A_384 : i32
        %dma_start3A_386 = arith.constant 0 : i32
        %dma_start3A_387 = tpu.memref_slice %arg6[%add3A_385, %dma_start3A_386] : memref<50x128xi32, #tpu.memory_space<vmem>> -> memref<1x128xi32, #tpu.memory_space<vmem>>
        %dma_start3A_388 = tpu.memref_squeeze %dma_start3A_387 : memref<1x128xi32, #tpu.memory_space<vmem>> -> memref<128xi32, #tpu.memory_space<vmem>>
        %dma_start3A_389 = arith.constant 0 : i32
        %dma_start3A_390 = arith.constant 0 : i32
        %dma_start3A_391 = tpu.memref_slice %arg2[%dma_start3A_389, %dma_start3A_390] : memref<100000x128xf32, #tpu.memory_space<hbm>> -> memref<100000x128xf32, #tpu.memory_space<hbm>>
        tpu.enqueue_indirect_dma source(%dma_start3A_391 : memref<100000x128xf32, #tpu.memory_space<hbm>>) target(%arg11 : memref<128x128xf32, #tpu.memory_space<vmem>>) offsets(%dma_start3A_388 : memref<128xi32, #tpu.memory_space<vmem>>) semaphore(%arg18 : memref<!tpu.dma_semaphore, #tpu.memory_space<semaphore_mem>>)
      } else {
      }
    }
    %scan3A_157 = arith.constant 10 : i32
    %dma_wait3A_158 = arith.constant 0 : i32
    %dma_wait3A_159 = arith.constant 0 : i32
    %dma_wait3A_160 = tpu.memref_slice %arg4[%dma_wait3A_158, %dma_wait3A_159] : memref<204800x128xf32, #tpu.memory_space<hbm>> -> memref<128x128xf32, #tpu.memory_space<hbm>>
    %dma_wait3A_161 = arith.constant 0 : i32
    %dma_wait3A_162 = arith.constant 0 : i32
    %dma_wait3A_163 = tpu.memref_slice %arg4[%dma_wait3A_161, %dma_wait3A_162] : memref<204800x128xf32, #tpu.memory_space<hbm>> -> memref<128x128xf32, #tpu.memory_space<hbm>>
    tpu.wait_dma2 semaphore(%arg19 : memref<!tpu.dma_semaphore, #tpu.memory_space<semaphore_mem>>) src(%arg7 : memref<128x128xf32, #tpu.memory_space<vmem>>) dst(%dma_wait3A_163 : memref<128x128xf32, #tpu.memory_space<hbm>>)
    %dma_wait3A_164 = arith.constant 0 : i32
    %dma_wait3A_165 = arith.constant 0 : i32
    %dma_wait3A_166 = tpu.memref_slice %arg13[%dma_wait3A_164, %dma_wait3A_165] : memref<2048x128xf32, #tpu.memory_space<vmem_shared>> -> memref<128x128xf32, #tpu.memory_space<vmem_shared>>
    %dma_wait3A_167 = arith.constant 0 : i32
    %dma_wait3A_168 = arith.constant 0 : i32
    %dma_wait3A_169 = tpu.memref_slice %arg13[%dma_wait3A_167, %dma_wait3A_168] : memref<2048x128xf32, #tpu.memory_space<vmem_shared>> -> memref<128x128xf32, #tpu.memory_space<vmem_shared>>
    tpu.wait_dma2 semaphore(%arg24 : memref<!tpu.dma_semaphore, #tpu.memory_space<semaphore_mem>>) src(%arg7 : memref<128x128xf32, #tpu.memory_space<vmem>>) dst(%dma_wait3A_169 : memref<128x128xf32, #tpu.memory_space<vmem_shared>>)
    %dma_wait3A_170 = arith.constant 0 : i32
    %dma_wait3A_171 = arith.constant 0 : i32
    %dma_wait3A_172 = tpu.memref_slice %arg4[%dma_wait3A_170, %dma_wait3A_171] : memref<204800x128xf32, #tpu.memory_space<hbm>> -> memref<128x128xf32, #tpu.memory_space<hbm>>
    %dma_wait3A_173 = arith.constant 0 : i32
    %dma_wait3A_174 = arith.constant 0 : i32
    %dma_wait3A_175 = tpu.memref_slice %arg4[%dma_wait3A_173, %dma_wait3A_174] : memref<204800x128xf32, #tpu.memory_space<hbm>> -> memref<128x128xf32, #tpu.memory_space<hbm>>
    tpu.wait_dma2 semaphore(%arg20 : memref<!tpu.dma_semaphore, #tpu.memory_space<semaphore_mem>>) src(%arg8 : memref<128x128xf32, #tpu.memory_space<vmem>>) dst(%dma_wait3A_175 : memref<128x128xf32, #tpu.memory_space<hbm>>)
    %dma_wait3A_176 = arith.constant 0 : i32
    %dma_wait3A_177 = arith.constant 0 : i32
    %dma_wait3A_178 = tpu.memref_slice %arg13[%dma_wait3A_176, %dma_wait3A_177] : memref<2048x128xf32, #tpu.memory_space<vmem_shared>> -> memref<128x128xf32, #tpu.memory_space<vmem_shared>>
    %dma_wait3A_179 = arith.constant 0 : i32
    %dma_wait3A_180 = arith.constant 0 : i32
    %dma_wait3A_181 = tpu.memref_slice %arg13[%dma_wait3A_179, %dma_wait3A_180] : memref<2048x128xf32, #tpu.memory_space<vmem_shared>> -> memref<128x128xf32, #tpu.memory_space<vmem_shared>>
    tpu.wait_dma2 semaphore(%arg25 : memref<!tpu.dma_semaphore, #tpu.memory_space<semaphore_mem>>) src(%arg8 : memref<128x128xf32, #tpu.memory_space<vmem>>) dst(%dma_wait3A_181 : memref<128x128xf32, #tpu.memory_space<vmem_shared>>)
    %dma_wait3A_182 = arith.constant 0 : i32
    %dma_wait3A_183 = arith.constant 0 : i32
    %dma_wait3A_184 = tpu.memref_slice %arg4[%dma_wait3A_182, %dma_wait3A_183] : memref<204800x128xf32, #tpu.memory_space<hbm>> -> memref<128x128xf32, #tpu.memory_space<hbm>>
    %dma_wait3A_185 = arith.constant 0 : i32
    %dma_wait3A_186 = arith.constant 0 : i32
    %dma_wait3A_187 = tpu.memref_slice %arg4[%dma_wait3A_185, %dma_wait3A_186] : memref<204800x128xf32, #tpu.memory_space<hbm>> -> memref<128x128xf32, #tpu.memory_space<hbm>>
    tpu.wait_dma2 semaphore(%arg21 : memref<!tpu.dma_semaphore, #tpu.memory_space<semaphore_mem>>) src(%arg9 : memref<128x128xf32, #tpu.memory_space<vmem>>) dst(%dma_wait3A_187 : memref<128x128xf32, #tpu.memory_space<hbm>>)
    %dma_wait3A_188 = arith.constant 0 : i32
    %dma_wait3A_189 = arith.constant 0 : i32
    %dma_wait3A_190 = tpu.memref_slice %arg13[%dma_wait3A_188, %dma_wait3A_189] : memref<2048x128xf32, #tpu.memory_space<vmem_shared>> -> memref<128x128xf32, #tpu.memory_space<vmem_shared>>
    %dma_wait3A_191 = arith.constant 0 : i32
    %dma_wait3A_192 = arith.constant 0 : i32
    %dma_wait3A_193 = tpu.memref_slice %arg13[%dma_wait3A_191, %dma_wait3A_192] : memref<2048x128xf32, #tpu.memory_space<vmem_shared>> -> memref<128x128xf32, #tpu.memory_space<vmem_shared>>
    tpu.wait_dma2 semaphore(%arg26 : memref<!tpu.dma_semaphore, #tpu.memory_space<semaphore_mem>>) src(%arg9 : memref<128x128xf32, #tpu.memory_space<vmem>>) dst(%dma_wait3A_193 : memref<128x128xf32, #tpu.memory_space<vmem_shared>>)
    %dma_wait3A_194 = arith.constant 0 : i32
    %dma_wait3A_195 = arith.constant 0 : i32
    %dma_wait3A_196 = tpu.memref_slice %arg4[%dma_wait3A_194, %dma_wait3A_195] : memref<204800x128xf32, #tpu.memory_space<hbm>> -> memref<128x128xf32, #tpu.memory_space<hbm>>
    %dma_wait3A_197 = arith.constant 0 : i32
    %dma_wait3A_198 = arith.constant 0 : i32
    %dma_wait3A_199 = tpu.memref_slice %arg4[%dma_wait3A_197, %dma_wait3A_198] : memref<204800x128xf32, #tpu.memory_space<hbm>> -> memref<128x128xf32, #tpu.memory_space<hbm>>
    tpu.wait_dma2 semaphore(%arg22 : memref<!tpu.dma_semaphore, #tpu.memory_space<semaphore_mem>>) src(%arg10 : memref<128x128xf32, #tpu.memory_space<vmem>>) dst(%dma_wait3A_199 : memref<128x128xf32, #tpu.memory_space<hbm>>)
    %dma_wait3A_200 = arith.constant 0 : i32
    %dma_wait3A_201 = arith.constant 0 : i32
    %dma_wait3A_202 = tpu.memref_slice %arg13[%dma_wait3A_200, %dma_wait3A_201] : memref<2048x128xf32, #tpu.memory_space<vmem_shared>> -> memref<128x128xf32, #tpu.memory_space<vmem_shared>>
    %dma_wait3A_203 = arith.constant 0 : i32
    %dma_wait3A_204 = arith.constant 0 : i32
    %dma_wait3A_205 = tpu.memref_slice %arg13[%dma_wait3A_203, %dma_wait3A_204] : memref<2048x128xf32, #tpu.memory_space<vmem_shared>> -> memref<128x128xf32, #tpu.memory_space<vmem_shared>>
    tpu.wait_dma2 semaphore(%arg27 : memref<!tpu.dma_semaphore, #tpu.memory_space<semaphore_mem>>) src(%arg10 : memref<128x128xf32, #tpu.memory_space<vmem>>) dst(%dma_wait3A_205 : memref<128x128xf32, #tpu.memory_space<vmem_shared>>)
    %dma_wait3A_206 = arith.constant 0 : i32
    %dma_wait3A_207 = arith.constant 0 : i32
    %dma_wait3A_208 = tpu.memref_slice %arg4[%dma_wait3A_206, %dma_wait3A_207] : memref<204800x128xf32, #tpu.memory_space<hbm>> -> memref<128x128xf32, #tpu.memory_space<hbm>>
    %dma_wait3A_209 = arith.constant 0 : i32
    %dma_wait3A_210 = arith.constant 0 : i32
    %dma_wait3A_211 = tpu.memref_slice %arg4[%dma_wait3A_209, %dma_wait3A_210] : memref<204800x128xf32, #tpu.memory_space<hbm>> -> memref<128x128xf32, #tpu.memory_space<hbm>>
    tpu.wait_dma2 semaphore(%arg23 : memref<!tpu.dma_semaphore, #tpu.memory_space<semaphore_mem>>) src(%arg11 : memref<128x128xf32, #tpu.memory_space<vmem>>) dst(%dma_wait3A_211 : memref<128x128xf32, #tpu.memory_space<hbm>>)
    %dma_wait3A_212 = arith.constant 0 : i32
    %dma_wait3A_213 = arith.constant 0 : i32
    %dma_wait3A_214 = tpu.memref_slice %arg13[%dma_wait3A_212, %dma_wait3A_213] : memref<2048x128xf32, #tpu.memory_space<vmem_shared>> -> memref<128x128xf32, #tpu.memory_space<vmem_shared>>
    %dma_wait3A_215 = arith.constant 0 : i32
    %dma_wait3A_216 = arith.constant 0 : i32
    %dma_wait3A_217 = tpu.memref_slice %arg13[%dma_wait3A_215, %dma_wait3A_216] : memref<2048x128xf32, #tpu.memory_space<vmem_shared>> -> memref<128x128xf32, #tpu.memory_space<vmem_shared>>
    tpu.wait_dma2 semaphore(%arg28 : memref<!tpu.dma_semaphore, #tpu.memory_space<semaphore_mem>>) src(%arg11 : memref<128x128xf32, #tpu.memory_space<vmem>>) dst(%dma_wait3A_217 : memref<128x128xf32, #tpu.memory_space<vmem_shared>>)
    %mul3A_218 = arith.constant 128 : i32
    %mul3A_219 = arith.muli %arg1, %mul3A_218 : i32
    "tpu.region"() ({
      %run_scoped3A = tpu.sem_alloc : memref<!tpu.dma_semaphore, #tpu.memory_space<semaphore_mem>>
      %dma_start3A_220 = arith.constant 0 : i32
      %dma_start3A_221 = tpu.memref_slice %arg5[%mul3A_2, %dma_start3A_220] : memref<4096x128xf32, #tpu.memory_space<hbm>> -> memref<128x128xf32, #tpu.memory_space<hbm>>
      %dma_start3A_222 = arith.constant 0 : i32
      %dma_start3A_223 = tpu.memref_slice %arg13[%mul3A_219, %dma_start3A_222] : memref<2048x128xf32, #tpu.memory_space<vmem_shared>> -> memref<128x128xf32, #tpu.memory_space<vmem_shared>>
      tpu.enqueue_dma source(%dma_start3A_223 : memref<128x128xf32, #tpu.memory_space<vmem_shared>>) target(%dma_start3A_221 : memref<128x128xf32, #tpu.memory_space<hbm>>) target_semaphore(%run_scoped3A : memref<!tpu.dma_semaphore, #tpu.memory_space<semaphore_mem>>)
      %dma_wait3A_224 = arith.constant 0 : i32
      %dma_wait3A_225 = tpu.memref_slice %arg5[%mul3A_2, %dma_wait3A_224] : memref<4096x128xf32, #tpu.memory_space<hbm>> -> memref<128x128xf32, #tpu.memory_space<hbm>>
      %dma_wait3A_226 = arith.constant 0 : i32
      %dma_wait3A_227 = tpu.memref_slice %arg13[%mul3A_219, %dma_wait3A_226] : memref<2048x128xf32, #tpu.memory_space<vmem_shared>> -> memref<128x128xf32, #tpu.memory_space<vmem_shared>>
      tpu.wait_dma2 semaphore(%run_scoped3A : memref<!tpu.dma_semaphore, #tpu.memory_space<semaphore_mem>>) src(%dma_wait3A_227 : memref<128x128xf32, #tpu.memory_space<vmem_shared>>) dst(%dma_wait3A_225 : memref<128x128xf32, #tpu.memory_space<hbm>>)
      tpu.yield
    }) : () -> ()
    return
  }
}

module attributes {stable_mosaic.version = 14 : i64} {
  func.func @_tc_head_body(%arg0: memref<4096x128xf32, #tpu.memory_space<vmem>>, %arg1: memref<4096x128xf32, #tpu.memory_space<vmem>>, %arg2: memref<128x128xf32, #tpu.memory_space<vmem>>, %arg3: memref<1x128xf32, #tpu.memory_space<vmem>>, %arg4: memref<1x1xf32, #tpu.memory_space<vmem>>) attributes {dimension_semantics = [], scalar_prefetch = 0 : i64, scratch_operands = 0 : i64, tpu.core_type = #tpu.core_type<tc>} {
    %get3A = arith.constant 0 : index
    %get3A_0 = arith.constant 0 : index
    %get3A_1 = vector.load %arg0[%get3A, %get3A_0] : memref<4096x128xf32, #tpu.memory_space<vmem>>, vector<4096x128xf32>
    %mul3A = arith.constant 2.000000e-02 : f32
    %mul3A_2 = vector.broadcast %mul3A : f32 to vector<4096x128xf32>
    %mul3A_3 = arith.mulf %get3A_1, %mul3A_2 : vector<4096x128xf32>
    %get3A_4 = arith.constant 0 : index
    %get3A_5 = arith.constant 0 : index
    %get3A_6 = vector.load %arg2[%get3A_4, %get3A_5] : memref<128x128xf32, #tpu.memory_space<vmem>>, vector<128x128xf32>
    %dot_general3A = arith.constant dense<0.000000e+00> : vector<4096x128xf32>
    %dot_general3A_7 = tpu.matmul %mul3A_3, %get3A_6, %dot_general3A {dimension_numbers = #tpu.dot_dimension_numbers<[1], [0], [0], [1], [0, 0, 1, 1], [], []>, transpose_lhs_hint = false} : vector<4096x128xf32>, vector<128x128xf32>, vector<4096x128xf32> -> vector<4096x128xf32>
    %get3A_8 = arith.constant 0 : index
    %get3A_9 = arith.constant 0 : index
    %get3A_10 = vector.load %arg3[%get3A_8, %get3A_9] : memref<1x128xf32, #tpu.memory_space<vmem>>, vector<1x128xf32>
    %add3A = vector.broadcast %get3A_10 : vector<1x128xf32> to vector<4096x128xf32>
    %add3A_11 = arith.addf %dot_general3A_7, %add3A : vector<4096x128xf32>
    %tanh3A = math.tanh %add3A_11 : vector<4096x128xf32>
    %get3A_12 = arith.constant 0 : index
    %get3A_13 = arith.constant 0 : index
    %get3A_14 = vector.load %arg1[%get3A_12, %get3A_13] : memref<4096x128xf32, #tpu.memory_space<vmem>>, vector<4096x128xf32>
    %sub3A = arith.subf %tanh3A, %get3A_14 : vector<4096x128xf32>
    %mul3A_15 = arith.mulf %sub3A, %sub3A : vector<4096x128xf32>
    %reduce_sum3A = vector.shape_cast %mul3A_15 : vector<4096x128xf32> to vector<1x4096x128xf32>
    %reduce_sum3A_16 = arith.constant dense<0.000000e+00> : vector<1xf32>
    %reduce_sum3A_17 = vector.multi_reduction <add>, %reduce_sum3A, %reduce_sum3A_16 [1, 2] : vector<1x4096x128xf32> to vector<1xf32>
    %reduce_sum3A_18 = vector.shape_cast %reduce_sum3A_17 : vector<1xf32> to vector<1x1x1xf32>
    %reduce_sum3A_19 = vector.extract %reduce_sum3A_18[0, 0, 0] : f32 from vector<1x1x1xf32>
    %reshape3A = vector.broadcast %reduce_sum3A_19 : f32 to vector<1x1xf32>
    %swap3A = arith.constant 0 : index
    %swap3A_20 = arith.constant 0 : index
    %swap3A_21 = vector.load %arg4[%swap3A, %swap3A_20] : memref<1x1xf32, #tpu.memory_space<vmem>>, vector<1x1xf32>
    tpu.vector_store %arg4[%swap3A, %swap3A_20], %reshape3A {strides = array<i32>} : memref<1x1xf32, #tpu.memory_space<vmem>>, vector<1x1xf32>,
    return
  }
}

</mosaic_0001>

<sc_bundles>
// kernel: kernel.4.cloned.1.call-start
scs
__scs_entry_jumppad:
0x0: {  	(pc) =	sbr.rel $0x88, $3  }
0x1: {  	(tag) =	ssettag $0x0;
	lr =	simm.s32 $0x1  }
0x2: {  	[smem:$0x3F9C] =	sst lr;
	_ =	strace $0xD0000000  }
0x3: {  	_ = 	snop  }
0x4: {  	_ = 	snop  }
0x5: {  	_ = 	snop  }
0x6: {  	_ = 	snop  }
0x7: {  	_ = 	snop  }
__scs_overlays_trampoline_lowered:
0x8: {  	[smem:$0x3FAB] =	sst s0  }
0x9: {  	[smem:$0x3FAC] =	sst s1  }
0xa: {  	[smem:$0x3FAD] =	sst s2  }
0xb: {  	[smem:$0x3FAE] =	sst s3  }
0xc: {  	[smem:$0x3FAF] =	sst s4  }
0xd: {  	[smem:$0x3FB0] =	sst s5  }
0xe: {  	[smem:$0x3FB1] =	sst s6  }
0xf: {  	[smem:$0x3FB2] =	sst s7  }
0x10: {  	[smem:$0x3FB3] =	sst s8  }
0x11: {  	[smem:$0x3FB4] =	sst s9;
	s0 =	simm.s32 @!p0 $0x0  }
0x12: {  	s1 =	sld [smem:$0x3F9A];
	s0 =	simm.s32 @p0 $0x1  }
0x13: {  	[smem:$0x3FB5] =	sst s0;
	s0 =	simm.s32 @!p1 $0x0  }
0x14: {  	s2 =	sld [smem:$0x3F99];
	s0 =	simm.s32 @p1 $0x1  }
0x15: {  	[smem:$0x3FB6] =	sst s0;
	s0 =	simm.s32 @!p2 $0x0  }
0x16: {  	s3 =	sld [smem:$0x3FDB];
	s0 =	simm.s32 @p2 $0x1  }
0x17: {  	s4 =	simm.s32 $0x1BF5;
	[smem:$0x3FB8] =	sst s0  }
0x18: {  	s0 =	sld [smem:$0x3F9B];
	_ =	swait.ge [sflag:s4], $0x0  }
0x19: {  	s7 =	sld [smem:$0x3F9C]  }
0x1a: {  	s8 =	sadd.s32 $0xFFFFE003, lr  }
0x1b: {  	s9 =	sadd.s32 $0xFFFFFEF7, lr;
	s5 =	simm.s32 $0xFFFFFFFF;
	p2 =	slt.u32 s8, $0xFFFFF086  }
0x1c: {  	p1 =	slt.u32 s9, $0xF7A;
	s5 =	simm.s32 @!p2 $0x0  }
0x1d: {  	s5 =	simm.s32 @p1 $0x1;
	p0 =	seq.s32 s7, s2  }
0x1e: {  	s7 =	smul.u32 @!p0 $0xF7A, s2;
	p2 =	seq.s32 @!p0 s5, $0x0  }
0x1f: {  	s9 =	smul.u32 $0xF7A, s1;
	s8 =	simm.s32 @!p0 $0x1BF5;
	p2 =	por !p2, p0  }
0x20: {  	[sflag:s8] =	ssyncset.s32 @!p0 $0xFFFFF086;
	s6 =	sadd.s32 @!p0 s3, s7;
	s7 =	simm.s32 @!p0 $0x108  }
0x21: {  	s3 =	sadd.s32 s3, s9;
	s6 =	sadd.s32 @!p0 $0x88, s6;
	s7 =	simm.s32 @p2 $0x1082  }
0x22: {  	[simem:s7], [sflag:s8] =	dma.local @!p0 [hbm:s6], $0xF7A  }
0x23: {  	s9 =	sor.u32 $0xD0000000, s2;
	s6 =	simm.s32 $0x108;
	_ =	swait.ge @!p0 [sflag:s8], $0x0  }
0x24: {  	s3 =	sadd.s32 $0x88, s3;
	s6 =	simm.s32 @!p1 $0x1082;
	[sflag:s4] =	ssyncset.s32 $0xFFFFF086  }
0x25: {  	[simem:s6], [sflag:s4] =	dma.local [hbm:s3], $0xF7A  }
0x26: {  	[smem:$0x3F9C] =	sst s1;
	(tag) =	ssettag s2;
	_ =	strace s9  }
0x27: {  	s1 =	sld [smem:$0x3FAC]  }
0x28: {  	s2 =	sld [smem:$0x3FAD]  }
0x29: {  	s4 =	sld [smem:$0x3FAF]  }
0x2a: {  	p0 =	seq.s32 s5, $0x0;
	s5 =	sld [smem:$0x3FB0]  }
0x2b: {  	s6 =	sld [smem:$0x3FB1]  }
0x2c: {  	s7 =	sld [smem:$0x3FB2]  }
0x2d: {  	s3 =	simm.s32 $0x108;
	s8 =	sld [smem:$0x3FB3]  }
0x2e: {  	s3 =	simm.s32 @!p0 $0x1082;
	s9 =	sld [smem:$0x3FB4]  }
0x2f: {  	lr =	sadd.s32 s0, s3;
	s0 =	sld [smem:$0x3FAB]  }
0x30: {  	s3 =	sld [smem:$0x3FAE]  }
0x31: {  	[smem:$0x3FB7] =	sst s10  }
0x32: {  	s10 =	sld [smem:$0x3FB5];
	_ =	sdelay $0x3  }
0x33: {  	p0 =	seq.s32 s10, $0x1;
	s10 =	sld [smem:$0x3FB7];
	_ =	sdelay $0x3  }
0x34: {  	[smem:$0x3FB7] =	sst s10  }
0x35: {  	s10 =	sld [smem:$0x3FB6];
	_ =	sdelay $0x3  }
0x36: {  	p1 =	seq.s32 s10, $0x1;
	s10 =	sld [smem:$0x3FB7];
	_ =	sdelay $0x3  }
0x37: {  	[smem:$0x3FB7] =	sst s10  }
0x38: {  	s10 =	sld [smem:$0x3FB8]  }
0x39: {  	_ = 	snop;
	(pc) =	sbr.ind lr, $3  }
0x3a: {  	_ = 	snop  }
0x3b: {  	_ = 	snop  }
0x3c: {  	p2 =	seq.s32 s10, $0x1;
	s10 =	sld [smem:$0x3FB7]  }
0x3d: {  	_ =	shalt  }
0x3e: {  	_ =	shalt  }
0x3f: {  	_ =	shalt  }
0x40: {  	_ =	shalt  }
0x41: {  	_ =	shalt  }
0x42: {  	_ =	shalt  }
0x43: {  	_ =	shalt  }
0x44: {  	_ =	shalt  }
0x45: {  	_ =	shalt  }
0x46: {  	_ =	shalt  }
0x47: {  	_ =	shalt  }
0x48: {  	_ =	shalt  }
0x49: {  	_ =	shalt  }
0x4a: {  	_ =	shalt  }
0x4b: {  	_ =	shalt  }
0x4c: {  	_ =	shalt  }
0x4d: {  	_ =	shalt  }
0x4e: {  	_ =	shalt  }
0x4f: {  	_ =	shalt  }
0x50: {  	_ =	shalt  }
0x51: {  	_ =	shalt  }
0x52: {  	_ =	shalt  }
0x53: {  	_ =	shalt  }
0x54: {  	_ =	shalt  }
0x55: {  	_ =	shalt  }
0x56: {  	_ =	shalt  }
0x57: {  	_ =	shalt  }
0x58: {  	_ =	shalt  }
0x59: {  	_ =	shalt  }
0x5a: {  	_ =	shalt  }
0x5b: {  	_ =	shalt  }
0x5c: {  	_ =	shalt  }
0x5d: {  	_ =	shalt  }
0x5e: {  	_ =	shalt  }
0x5f: {  	_ =	shalt  }
0x60: {  	_ =	shalt  }
0x61: {  	_ =	shalt  }
0x62: {  	_ =	shalt  }
0x63: {  	_ =	shalt  }
0x64: {  	_ =	shalt  }
0x65: {  	_ =	shalt  }
0x66: {  	_ =	shalt  }
0x67: {  	_ =	shalt  }
0x68: {  	_ =	shalt  }
0x69: {  	_ =	shalt  }
0x6a: {  	_ =	shalt  }
0x6b: {  	_ =	shalt  }
0x6c: {  	_ =	shalt  }
0x6d: {  	_ =	shalt  }
0x6e: {  	_ =	shalt  }
0x6f: {  	_ =	shalt  }
0x70: {  	_ =	shalt  }
0x71: {  	_ =	shalt  }
0x72: {  	_ =	shalt  }
0x73: {  	_ =	shalt  }
0x74: {  	_ =	shalt  }
0x75: {  	_ =	shalt  }
0x76: {  	_ =	shalt  }
0x77: {  	_ =	shalt  }
0x78: {  	_ =	shalt  }
0x79: {  	_ =	shalt  }
0x7a: {  	_ =	shalt  }
0x7b: {  	_ =	shalt  }
0x7c: {  	_ =	shalt  }
0x7d: {  	_ =	shalt  }
0x7e: {  	_ =	shalt  }
0x7f: {  	_ =	shalt  }
0x80: {  	_ =	shalt  }
0x81: {  	_ =	shalt  }
0x82: {  	_ =	shalt  }
0x83: {  	_ =	shalt  }
0x84: {  	_ =	shalt  }
0x85: {  	_ =	shalt  }
0x86: {  	_ =	shalt  }
0x87: {  	_ =	shalt  }
.Lfunc_end0:
.L_simem_size_0:
called_computation_lowered:
.L_overlay_start_0:
0x88: {  	s2 =	sld [smem:$0x3FD9]  }
0x89: {  	s3 =	sld [smem:$0x3FFE];
	_ =	sdelay $0x1  }
0x8a: {  	s1 =	srdreg.scid  }
0x8b: {  	s0 =	sand.u32 $0x1, s1  }
0x8c: {  	s14 =	sshll.u32 s0, $0xA;
	s2 =	sadd.s32 s3, s2  }
0x8d: {  	s2 =	sadd.s32 s2, s14  }
0x8e: {  	[smem:$0x3FC3] =	sst s2  }
0x8f: {  	_ = 	snop  }
0x90: {  	s2 =	sld [smem:$0x3FD0];
	_ =	sdelay $0x1  }
0x91: {  	s15 =	sld [smem:$0x3FC9]  }
0x92: {  	s5 =	simm.s32 $0xA;
	s6 =	simm.s32 $0x10;
	s4 =	sld [smem:$0x3FC7]  }
0x93: {  	[smem:s6], [sflag:s5] =	dma.local [hbm:s2], $0x1  }
0x94: {  	_ =	swait.eq [sflag:s5], $0x1  }
0x95: {  	[sflag:s5] =	ssyncset.done $0x0  }
0x96: {  	[sflag:s5] =	ssyncadd.s32 $0xFFFFFFFF  }
0x97: {  	s16 =	sld [smem:$0x10];
	(tm) =	ssettm $0x1  }
0x98: {  	s17 =	sld [smem:$0x3FFB];
	_ =	sdelay $0x3  }
0x99: {  	_ =	strace s17  }
0x9a: {  	s5 =	sld [smem:$0x3FFC];
	_ =	sdelay $0x3  }
0x9b: {  	_ =	strace s5  }
0x9c: {  	s5 =	sld [smem:$0x3FFD];
	_ =	sdelay $0x3  }
0x9d: {  	_ =	strace s5  }
0x9e: {  	_ =	strace $0x8FFFFFFF  }
0x9f: {  	s18 =	sld [smem:$0x3FDB];
	_ =	sdelay $0x1  }
0xa0: {  	s19 =	simm.s32 $_scs_section_size  }
0xa1: {  	s7 =	simm.s32 $_size__tile_overlayer_lowered;
	s8 =	simm.s32 $_tile_overlayer_lowered  }
0xa2: {  	s22 =	simm.s32 $0x1BFF;
	s21 =	sshll.u32 s8, $0x1;
	s5 =	sadd.s32 s19, s18  }
0xa3: {  	s9 =	simm.s32 $0x0;
	s20 =	sshll.u32 s7, $0x1;
	s7 =	sadd.s32 s21, s5  }
0xa4: {  	[timem:s9], [sflag:s22] =	dma.local [hbm:s7], s20  }
0xa5: {  	_ =	swait.ge [sflag:s22], s20  }
0xa6: {  	s6 =	ssub.s32 $0x0, s20;
	[sflag:s22] =	ssyncset.done $0x0  }
0xa7: {  	[sflag:s22] =	ssyncadd.s32 s6;
	_ =	sdelay $0x1  }
0xa8: {  	s23 =	simm.s32 $0x1B8B  }
0xa9: {  	_ =	swait.ge [sflag:s23], $0x1  }
0xaa: {  	[sflag:s23] =	ssyncset.done $0x0  }
0xab: {  	s25 =	simm.s32 $0x1B8E;
	s24 =	sld [smem:$0x3FFE];
	[sflag:s23] =	ssyncadd.s32 $0xFFFFFFFF  }
0xac: {  	s26 =	simm.s32 $execute0_lowered;
	[smem:$0x3FD2] =	sst s25  }
0xad: {  	s7 =	sshll.u32 s26, $0x1;
	_ =	strace $0x80000046;
	[dreg:$0x1] =	wrdreg $0xFFFFFFFF  }
0xae: {  	s28 =	simm.s32 $_size_execute0_lowered;
	s5 =	sadd.s32 s5, s7;
	[dreg:$0x0] =	wrdreg $0x0  }
0xaf: {  	s7 =	sshll.u32 s28, $0x1;
	[dreg:$0x2] =	wrdreg s5  }
0xb0: {  	[dreg:$0x3] =	wrdreg s7  }
0xb1: {  	[dreg:$0x4] =	wrdreg $0xC0  }
0xb2: {  	_ =	task [dreg:s9], $0x5FFFF  }
0xb3: {  	[dreg:$0x1] =	wrdreg $0xFFFFFFFF  }
0xb4: {  	[dreg:$0x0] =	wrdreg $0x60  }
0xb5: {  	[dreg:$0x2] =	wrdreg s4  }
0xb6: {  	[dreg:$0x3] =	wrdreg s15  }
0xb7: {  	[dreg:$0x4] =	wrdreg s16  }
0xb8: {  	[dreg:$0x5] =	wrdreg s24  }
0xb9: {  	[dreg:$0x6] =	wrdreg $0x15C800  }
0xba: {  	[dreg:$0x7] =	wrdreg $0x9  }
0xbb: {  	_ =	task.clear_ibuf [dreg:s9], $0x8FFFF;
	_ =	strace $0x90000046  }
0xbc: {  	s29 =	simm.s32 $0x9;
	_ =	strace $0x80000048  }
0xbd: {  	_ =	swait.ge [sflag:s29], $0x1  }
0xbe: {  	[sflag:s29] =	ssyncadd.s32 $0xFFFFFFFF  }
0xbf: {  	_ =	strace $0x90000048  }
0xc0: {  	_ =	sfence  }
0xc1: {  	s30 =	sld [smem:$0x0];
	_ =	sdelay $0x2  }
0xc2: {  	s31 =	sshll.u32 s1, $0xD;
	s1 =	sshrl.u32 s1, $0x2  }
0xc3: {  	s3 =	sand.u32 $0x4000, s31;
	s1 =	sadd.s32 s1, s30  }
0xc4: {  	s0 =	sor.u32 s3, s0;
	s1 =	sshll.u32 s1, $0x11  }
0xc5: {  	s0 =	sor.u32 s1, s0  }
0xc6: {  	s0 =	sadd.s32 $0x8F2B, s0  }
0xc7: {  	[sflag:s0] =	ssyncadd.remote.s32 $0x1  }
0xc8: {  	_ =	sfence.sel $0xFFFF  }
0xc9: {  	[dreg:$0x0] =	wrdreg $0xFFFFFFFF;
	(pc) =	sbr.abs _section_cstart, $3  }
0xca: {  	[dreg:$0x1] =	wrdreg $0xFFFFFFFF  }
0xcb: {  	_ =	task.clear_ibuf [dreg:s9], $0x2FFFF;
	_ =	strace $0x9FFFFFFF  }
0xcc: {  	(tm) =	ssettm $0x7FFFFFFF  }
0xcd: {  	_ =	shalt  }
tec
execute0_lowered:
.L_overlay_start_1:
0x0: {  	(tag) =	ssettag $0x1  }
0x1: {  	s1 =	rddreg [dreg:$0x0]  }
0x2: {  	s0 =	rddreg [dreg:$0x1]  }
0x3: {  	s2 =	rddreg [dreg:$0x2]  }
0x4: {  	s5 =	rddreg [dreg:$0x3]  }
0x5: {  	s3 =	rddreg [dreg:$0x4];
	s4 =	srdreg.scid  }
0x6: {  	s11 =	stileid.u32;
	s17 =	simm.s32 $0x80;
	s18 =	simm.s32 $0x5C00  }
0x7: {  	s20 =	simm.s32 $0x9C00;
	s22 =	simm.s32 $0xDC00;
	s24 =	simm.s32 $0x11C00  }
0x8: {  	s28 =	simm.s32 $0x2;
	s29 =	simm.s32 $0x3;
	s30 =	simm.s32 $0x4  }
0x9: {  	s31 =	simm.s32 $0x5;
	s6 =	sand.u32 $0x1, s4;
	s4 =	simm.s32 $0x0  }
0xa: {  	s7 =	sshll.u32 s11, $0x8;
	s26 =	sshll.u32 s11, $0xE;
	s8 =	sshll.u32 s6, $0x7  }
0xb: {  	[smem:$0x7FF] =	sst s4;
	s25 =	ssub.s32 $0x2, s6;
	s14 =	sshll.u32 s6, $0xB  }
0xc: {  	s6 =	simm.s32 $0xA;
	s7 =	sor.u32 s8, s7;
	s10 =	sshrl.u32 s25, $0x1  }
0xd: {  	_ =	strace $0x80000047;
	s9 =	sshll.u32 s7, $0x4;
	s8 =	ssub.s32 s25, s10  }
0xe: {  	s7 =	sadd.s32 s0, s7;
	s25 =	simm.s32 $0x1;
	s5 =	sadd.s32 s9, s5  }
0xf: {  	s9 =	sshll.u32 s11, $0x7;
	[dreg:$0x6] =	wrdreg s7;
	s7 =	sadd.s32 $0x6000, s7  }
0x10: {  	s15 =	smax.u32 s8, $0x1;
	s8 =	simm.s32 $0xF;
	s10 =	sor.u32 $0x10, s9  }
0x11: {  	s12 =	sor.u32 $0x20, s9;
	s19 =	sor.u32 $0x30, s9;
	s21 =	sor.u32 $0x40, s9  }
0x12: {  	s23 =	sor.u32 $0x50, s9;
	s16 =	sor.u32 $0x60, s9;
	s13 =	sor.u32 $0x70, s9  }
0x13: {  	[dreg:$0x7] =	wrdreg s7;
	s7 =	sadd.s32 s26, s3;
	s5 =	sadd.s32 $0x1000, s5  }
0x14: {  	[dreg:$0x9] =	wrdreg s15;
	s15 =	simm.s32 $0x11;
	s26 =	simm.s32 $0x15C00  }
.Ltmp0:
0x15: {  	v7 =	vlaneseq.u32;
	[dreg:$0xb] =	wrdreg s13;
	s13 =	sshll.u32 s11, $0xC;
	(pc) =	sbr.rel .LBB2_1-.Ltmp0, $4  }
0x16: {  	[dreg:$0x8] =	wrdreg s5;
	v3 =	vor.u32 s19, v7;
	v4 =	vor.u32 s21, v7;
	s19 =	simm.s32 $0xD;
	s21 =	simm.s32 $0x9  }
0x17: {  	v5 =	vor.u32 s23, v7;
	s23 =	simm.s32 $0xE;
	s5 =	simm.s32 $0x0;
	s0 =	sadd.s32 s13, s2  }
0x18: {  	v8 =	vimm.f32 $0.0e+00;
	v0 =	vor.u32 s9, v7;
	v6 =	vor.u32 s16, v7;
	s13 =	simm.s32 $0xC;
	s16 =	rddreg [dreg:$0xb];
	s0 =	sadd.s32 s14, s0  }
0x19: {  	v1 =	vor.u32 s10, v7;
	v2 =	vor.u32 s12, v7;
	s2 =	simm.s32 $0x8;
	s14 =	simm.s32 $0x1C00;
	v7 =	vor.u32 s16, v7;
	[dreg:$0xa] =	wrdreg s0  }
.LBB2_6:
0x1a: {  	s0 =	simm.s32 $0x6  }
0x1b: {  	_ =	swait.ge [sflag:s0], $0x4000  }
0x1c: {  	[sflag:s0] =	ssyncset.done $0x0  }
0x1d: {  	s10 =	simm.s32 $0xB;
	[sflag:s0] =	ssyncadd.s32 $0xFFFFC000  }
0x1e: {  	_ =	swait.ge [sflag:s10], $0x4000  }
0x1f: {  	[sflag:s10] =	ssyncset.done $0x0  }
0x20: {  	s11 =	simm.s32 $0x7;
	[sflag:s10] =	ssyncadd.s32 $0xFFFFC000  }
0x21: {  	_ =	swait.ge [sflag:s11], $0x4000  }
0x22: {  	[sflag:s11] =	ssyncset.done $0x0  }
0x23: {  	[sflag:s11] =	ssyncadd.s32 $0xFFFFC000  }
0x24: {  	_ =	swait.ge [sflag:s13], $0x4000  }
0x25: {  	[sflag:s13] =	ssyncset.done $0x0  }
0x26: {  	[sflag:s13] =	ssyncadd.s32 $0xFFFFC000  }
0x27: {  	_ =	swait.ge [sflag:s2], $0x4000  }
0x28: {  	[sflag:s2] =	ssyncset.done $0x0  }
0x29: {  	[sflag:s2] =	ssyncadd.s32 $0xFFFFC000  }
0x2a: {  	_ =	swait.ge [sflag:s19], $0x4000  }
0x2b: {  	[sflag:s19] =	ssyncset.done $0x0  }
0x2c: {  	[sflag:s19] =	ssyncadd.s32 $0xFFFFC000  }
0x2d: {  	_ =	swait.ge [sflag:s21], $0x4000  }
0x2e: {  	[sflag:s21] =	ssyncset.done $0x0  }
0x2f: {  	[sflag:s21] =	ssyncadd.s32 $0xFFFFC000  }
0x30: {  	_ =	swait.ge [sflag:s23], $0x4000  }
0x31: {  	[sflag:s23] =	ssyncset.done $0x0  }
0x32: {  	[sflag:s23] =	ssyncadd.s32 $0xFFFFC000  }
0x33: {  	_ =	swait.ge [sflag:s6], $0x4000  }
0x34: {  	[sflag:s6] =	ssyncset.done $0x0  }
0x35: {  	[sflag:s6] =	ssyncadd.s32 $0xFFFFC000  }
0x36: {  	s12 =	stileid.u32;
	_ =	swait.ge [sflag:s8], $0x4000  }
0x37: {  	s9 =	sshrl.u32 s7, $0x3;
	s0 =	sshll.u32 s12, $0x6;
	[sflag:s8] =	ssyncset.done $0x0  }
0x38: {  	s0 =	sor.u32 $0x1C11, s0;
	s10 =	rddreg [dreg:$0x8];
	[sflag:s8] =	ssyncadd.s32 $0xFFFFC000  }
0x39: {  	[hbm:s10], [sflag:s0] =	dma.local [spmem:s9], $0x800  }
0x3a: {  	_ =	swait.ge [sflag:s15], $0x800  }
0x3b: {  	s5 =	sadd.s32 $0x1, s5;
	s16 =	rddreg [dreg:$0x9]  }
0x3c: {  	p0 =	sne.s32 s5, s16  }
.Ltmp1:
0x3d: {  	_ = 	snop;
	(pc) =	sbr.rel @!p0 .LBB2_7-.Ltmp1, $3  }
0x3e: {  	_ =	sdelay $0x1  }
0x3f: {  	[sflag:s15] =	ssyncset.done $0x0  }
0x40: {  	[sflag:s15] =	ssyncadd.s32 $0xFFFFF800  }
.LBB2_1:
0x41: {  	[tilespmem:$0x15C00] =	vst v0  }
0x42: {  	[tilespmem:$0x15C10] =	vst v1  }
0x43: {  	[tilespmem:$0x15C20] =	vst v2  }
0x44: {  	[tilespmem:$0x15C30] =	vst v3  }
0x45: {  	[tilespmem:$0x15C40] =	vst v4  }
0x46: {  	[tilespmem:$0x15C50] =	vst v5  }
0x47: {  	[tilespmem:$0x15C60] =	vst v6;
	s0 =	rddreg [dreg:$0x6]  }
0x48: {  	[tilespmem:$0x15C70] =	vst v7;
	s9 =	simm.s32 $0x400;
	s10 =	simm.s32 $0x8000;
	s12 =	rddreg [dreg:$0x7]  }
0x49: {  	[tilespmem:s4], [sflag:$0x10] =	stream.strided.gather [hbm4b:s0+s9], $0x1800, s10, s9, $0x38;
	[tilespmem:$0x19C80] =	vst v63  }
0x4a: {  	s16 =	simm.s32 $0x1800;
	s9 =	simm.s32 $0x0;
	s10 =	simm.s32 $0x200  }
0x4b: {  	[tilespmem:s16], [sflag:$0x10] =	stream.linear.gather [hbm4b:s12+s4], $0x100, $0x38;
	[tilespmem:$0x19C80] =	vst v63  }
.LBB2_2:
0x4c: {  	p0 =	sne.s32 s10, $0xFE00;
	[tilespmem:s9+$0x1C70] =	vst v8  }
0x4d: {  	[tilespmem:s9+$0x1C00] =	vst v8  }
0x4e: {  	[tilespmem:s9+$0x1C10] =	vst v8  }
.Ltmp2:
0x4f: {  	[tilespmem:s9+$0x1C20] =	vst v8;
	(pc) =	sbr.rel @p0 .LBB2_2-.Ltmp2, $4  }
0x50: {  	[tilespmem:s9+$0x1C30] =	vst v8  }
0x51: {  	[tilespmem:s9+$0x1C40] =	vst v8  }
0x52: {  	[tilespmem:s9+$0x1C50] =	vst v8  }
0x53: {  	[tilespmem:s9+$0x1C60] =	vst v8;
	s9 =	sshra.s32 s10, $0x2;
	s10 =	sadd.s32 $0x200, s10  }
0x54: {  	[tilespmem:s9+$0x1C70] =	vst v8  }
0x55: {  	[tilespmem:s9+$0x1C00] =	vst v8  }
0x56: {  	[tilespmem:s9+$0x1C10] =	vst v8  }
0x57: {  	[tilespmem:s9+$0x1C20] =	vst v8  }
0x58: {  	[tilespmem:s9+$0x1C30] =	vst v8  }
0x59: {  	[tilespmem:s9+$0x1C40] =	vst v8  }
0x5a: {  	[tilespmem:s9+$0x1C50] =	vst v8  }
0x5b: {  	[tilespmem:s9+$0x1C60] =	vst v8  }
0x5c: {  	[spmem:s7] =	stream.linear.scatter [tilespmem:s14], [sflag:$0x11], $0x4000, $0x38;
	[tilespmem:$0x19C80] =	vst v63  }
0x5d: {  	_ =	swait.ge [sflag:s15], $0x4000  }
0x5e: {  	[sflag:s15] =	ssyncset.done $0x0  }
0x5f: {  	s0 =	simm.s32 $0x10;
	[sflag:s15] =	ssyncadd.s32 $0xFFFFC000  }
0x60: {  	_ =	swait.ge [sflag:s0], $0x1900  }
0x61: {  	[sflag:s0] =	ssyncset.done $0x0  }
0x62: {  	s9 =	simm.s32 $0x0;
	[sflag:s0] =	ssyncadd.s32 $0xFFFFE700  }
0x63: {  	[tilespmem:s14], [sflag:$0x1] =	stream.indirect.gather [hbm4b:s1+s17], $0x80, s9, s17, $0xb8;
	[tilespmem:$0x19C80] =	vst v63  }
0x64: {  	_ = 	snop  }
0x65: {  	[tilespmem:s18], [sflag:$0x2] =	stream.indirect.gather [hbm4b:s1+s17], $0x80, s17, s17, $0xb8;
	[tilespmem:$0x19C80] =	vst v63  }
0x66: {  	s11 =	simm.s32 $0x100  }
0x67: {  	[tilespmem:s20], [sflag:$0x3] =	stream.indirect.gather [hbm4b:s1+s17], $0x80, s11, s17, $0xb8;
	[tilespmem:$0x19C80] =	vst v63  }
0x68: {  	s12 =	simm.s32 $0x180  }
0x69: {  	[tilespmem:s22], [sflag:$0x4] =	stream.indirect.gather [hbm4b:s1+s17], $0x80, s12, s17, $0xb8;
	[tilespmem:$0x19C80] =	vst v63  }
0x6a: {  	s16 =	simm.s32 $0x200;
	s10 =	rddreg [dreg:$0xa]  }
0x6b: {  	[tilespmem:s24], [sflag:$0x5] =	stream.indirect.gather [hbm4b:s1+s17], $0x80, s16, s17, $0xb8;
	[tilespmem:$0x19C80] =	vst v63  }
.LBB2_4:
0x6c: {  	_ =	swait.ge [sflag:s25], $0x4000  }
0x6d: {  	[sflag:s25] =	ssyncset.done $0x0  }
0x6e: {  	p0 =	seq.s32 s9, $0x5A00;
	[sflag:s25] =	ssyncadd.s32 $0xFFFFC000  }
0x6f: {  	[hbm4b:s10+s4] =	stream.linear.scatter [tilespmem:s14], [sflag:$0x6], $0x4000, $0x38;
	[tilespmem:$0x19C80] =	vst v63  }
0x70: {  	s16 =	simm.s32 @!p0 $0x6  }
0x71: {  	[spmem:s3] =	stream.indirect.scatter.add.f32 [tilespmem:s14], [sflag:$0xB], $0x80, s26, s17, $0xb8;
	[tilespmem:$0x19C80] =	vst v63  }
0x72: {  	_ =	swait.ge @!p0 [sflag:s16], $0x4000  }
0x73: {  	[sflag:s16] =	ssyncset.done @!p0 $0x0  }
0x74: {  	[sflag:s16] =	ssyncadd.s32 @!p0 $0xFFFFC000;
	s16 =	simm.s32 @!p0 $0xB  }
0x75: {  	_ =	swait.ge @!p0 [sflag:s16], $0x4000  }
0x76: {  	[sflag:s16] =	ssyncset.done @!p0 $0x0  }
0x77: {  	[sflag:s16] =	ssyncadd.s32 @!p0 $0xFFFFC000;
	s16 =	sshra.s32 @!p0 s9, $0x2  }
0x78: {  	s11 =	simm.s32 @!p0 $0x80;
	s12 =	simm.s32 @!p0 $0x1C00;
	s0 =	sadd.s32 @!p0 $0x280, s16  }
0x79: {  	[tilespmem:s12], [sflag:$0x1] =	stream.indirect.gather @!p0 [hbm4b:s1+s11], $0x80, s0, s11, $0xb8;
	[tilespmem:$0x19C80] =	vst v63  }
0x7a: {  	_ =	swait.ge [sflag:s28], $0x4000  }
0x7b: {  	[sflag:s28] =	ssyncset.done $0x0  }
0x7c: {  	s12 =	sadd.s32 $0x10000, s10;
	[sflag:s28] =	ssyncadd.s32 $0xFFFFC000  }
0x7d: {  	[hbm4b:s12+s4] =	stream.linear.scatter [tilespmem:s18], [sflag:$0x7], $0x4000, $0x38;
	[tilespmem:$0x19C80] =	vst v63  }
0x7e: {  	s0 =	simm.s32 @!p0 $0x7  }
0x7f: {  	[spmem:s3] =	stream.indirect.scatter.add.f32 [tilespmem:s18], [sflag:$0xC], $0x80, s26, s17, $0xb8;
	[tilespmem:$0x19C80] =	vst v63  }
0x80: {  	_ =	swait.ge @!p0 [sflag:s0], $0x4000  }
0x81: {  	[sflag:s0] =	ssyncset.done @!p0 $0x0  }
0x82: {  	[sflag:s0] =	ssyncadd.s32 @!p0 $0xFFFFC000;
	s0 =	simm.s32 @!p0 $0xC  }
0x83: {  	_ =	swait.ge @!p0 [sflag:s0], $0x4000  }
0x84: {  	[sflag:s0] =	ssyncset.done @!p0 $0x0  }
0x85: {  	s12 =	simm.s32 @!p0 $0x5C00;
	[sflag:s0] =	ssyncadd.s32 @!p0 $0xFFFFC000;
	s0 =	sadd.s32 @!p0 $0x300, s16  }
0x86: {  	[tilespmem:s12], [sflag:$0x2] =	stream.indirect.gather @!p0 [hbm4b:s1+s11], $0x80, s0, s11, $0xb8;
	[tilespmem:$0x19C80] =	vst v63  }
0x87: {  	_ =	swait.ge [sflag:s29], $0x4000  }
0x88: {  	[sflag:s29] =	ssyncset.done $0x0  }
0x89: {  	s12 =	sadd.s32 $0x20000, s10;
	[sflag:s29] =	ssyncadd.s32 $0xFFFFC000  }
0x8a: {  	[hbm4b:s12+s4] =	stream.linear.scatter [tilespmem:s20], [sflag:$0x8], $0x4000, $0x38;
	[tilespmem:$0x19C80] =	vst v63  }
0x8b: {  	s0 =	simm.s32 @!p0 $0x8  }
0x8c: {  	[spmem:s3] =	stream.indirect.scatter.add.f32 [tilespmem:s20], [sflag:$0xD], $0x80, s26, s17, $0xb8;
	[tilespmem:$0x19C80] =	vst v63  }
0x8d: {  	_ =	swait.ge @!p0 [sflag:s0], $0x4000  }
0x8e: {  	[sflag:s0] =	ssyncset.done @!p0 $0x0  }
0x8f: {  	[sflag:s0] =	ssyncadd.s32 @!p0 $0xFFFFC000;
	s0 =	simm.s32 @!p0 $0xD  }
0x90: {  	_ =	swait.ge @!p0 [sflag:s0], $0x4000  }
0x91: {  	[sflag:s0] =	ssyncset.done @!p0 $0x0  }
0x92: {  	s12 =	simm.s32 @!p0 $0x9C00;
	[sflag:s0] =	ssyncadd.s32 @!p0 $0xFFFFC000;
	s0 =	sadd.s32 @!p0 $0x380, s16  }
0x93: {  	[tilespmem:s12], [sflag:$0x3] =	stream.indirect.gather @!p0 [hbm4b:s1+s11], $0x80, s0, s11, $0xb8;
	[tilespmem:$0x19C80] =	vst v63  }
0x94: {  	_ =	swait.ge [sflag:s30], $0x4000  }
0x95: {  	[sflag:s30] =	ssyncset.done $0x0  }
0x96: {  	s12 =	sadd.s32 $0x30000, s10;
	[sflag:s30] =	ssyncadd.s32 $0xFFFFC000  }
0x97: {  	[hbm4b:s12+s4] =	stream.linear.scatter [tilespmem:s22], [sflag:$0x9], $0x4000, $0x38;
	[tilespmem:$0x19C80] =	vst v63  }
0x98: {  	s0 =	simm.s32 @!p0 $0x9  }
0x99: {  	[spmem:s3] =	stream.indirect.scatter.add.f32 [tilespmem:s22], [sflag:$0xE], $0x80, s26, s17, $0xb8;
	[tilespmem:$0x19C80] =	vst v63  }
0x9a: {  	_ =	swait.ge @!p0 [sflag:s0], $0x4000  }
0x9b: {  	[sflag:s0] =	ssyncset.done @!p0 $0x0  }
0x9c: {  	[sflag:s0] =	ssyncadd.s32 @!p0 $0xFFFFC000;
	s0 =	simm.s32 @!p0 $0xE  }
0x9d: {  	_ =	swait.ge @!p0 [sflag:s0], $0x4000  }
0x9e: {  	[sflag:s0] =	ssyncset.done @!p0 $0x0  }
0x9f: {  	s12 =	simm.s32 @!p0 $0xDC00;
	[sflag:s0] =	ssyncadd.s32 @!p0 $0xFFFFC000;
	s0 =	sadd.s32 @!p0 $0x400, s16  }
0xa0: {  	[tilespmem:s12], [sflag:$0x4] =	stream.indirect.gather @!p0 [hbm4b:s1+s11], $0x80, s0, s11, $0xb8;
	[tilespmem:$0x19C80] =	vst v63  }
0xa1: {  	_ =	swait.ge [sflag:s31], $0x4000  }
.Ltmp3:
0xa2: {  	[sflag:s31] =	ssyncset.done $0x0;
	(pc) =	sbr.rel @p0 .LBB2_6-.Ltmp3, $4  }
0xa3: {  	s16 =	sadd.s32 $0x40000, s10;
	[sflag:s31] =	ssyncadd.s32 $0xFFFFC000  }
0xa4: {  	[hbm4b:s16+s4] =	stream.linear.scatter [tilespmem:s24], [sflag:$0xA], $0x4000, $0x38;
	[tilespmem:$0x19C80] =	vst v63  }
0xa5: {  	_ = 	snop  }
0xa6: {  	[spmem:s3] =	stream.indirect.scatter.add.f32 [tilespmem:s24], [sflag:$0xF], $0x80, s26, s17, $0xb8;
	[tilespmem:$0x19C80] =	vst v63  }
0xa7: {  	_ =	swait.ge [sflag:s6], $0x4000  }
0xa8: {  	[sflag:s6] =	ssyncset.done $0x0  }
.Ltmp4:
0xa9: {  	[sflag:s6] =	ssyncadd.s32 $0xFFFFC000;
	(pc) =	sbr.rel .LBB2_4-.Ltmp4, $4  }
0xaa: {  	_ =	swait.ge [sflag:s8], $0x4000  }
0xab: {  	s0 =	sshra.s32 s9, $0x2;
	s9 =	sadd.s32 $0xA00, s9;
	[sflag:s8] =	ssyncset.done $0x0  }
0xac: {  	s10 =	sadd.s32 $0x50000, s10;
	s0 =	sadd.s32 $0x480, s0;
	[sflag:s8] =	ssyncadd.s32 $0xFFFFC000  }
0xad: {  	[tilespmem:s24], [sflag:$0x5] =	stream.indirect.gather [hbm4b:s1+s17], $0x80, s0, s17, $0xb8;
	[tilespmem:$0x19C80] =	vst v63  }
.LBB2_7:
0xae: {  	_ =	sfence.sel $0x180000  }
0xaf: {  	[bflag:$0x0] =	sbarrier.arrive $0xFFFF  }
0xb0: {  	_ =	strace $0x90000047  }
0xb1: {  	s0 =	stileid.u32;
	[bflag:$0x2] =	sbarrier.arrive $0xFFFF  }
0xb2: {  	p0 =	sne.s32 s0, $0x0;
	s0 =	rddreg [dreg:$0x5]  }
0xb3: {  	s0 =	sadd.s32 @!p0 $0x100000, s0  }
0xb4: {  	[sflag:s0] =	ssyncadd.tile.s32 @!p0 $0x1;
	_ =	shalt  }
.Lfunc_end2:
_tile_overlayer_lowered:
.L_overlay_start_2:
0xb5: {  	(tag) =	ssettag $0x2  }
0xb6: {  	s0 =	rddreg [dreg:$0x0];
	s2 =	stileid.u32  }
0xb7: {  	s1 =	rddreg [dreg:$0x1];
	p0 =	sne.s32 s2, $0x0  }
0xb8: {  	s3 =	rddreg [dreg:$0x2];
	[bflag:$0x3] =	sbarrier.arrive $0xFFFF;
	s2 =	simm.s32 @!p0 $0x1C11  }
0xb9: {  	[timem:s3], [sflag:s2] =	dma.local @!p0 [hbm:s0], s1  }
0xba: {  	s0 =	simm.s32 @!p0 $0x11  }
0xbb: {  	_ =	swait.ge @!p0 [sflag:s0], s1  }
0xbc: {  	s1 =	ssub.s32 @!p0 $0x0, s1;
	[sflag:s0] =	ssyncset.done @!p0 $0x0  }
0xbd: {  	[sflag:s0] =	ssyncadd.s32 @!p0 s1  }
0xbe: {  	[bflag:$0x3] =	sbarrier.arrive $0xFFFF  }
0xbf: {  	_ =	shalt  }

</sc_bundles>
